<compile_context>
chip_gen: v7x
topology: tpu7x:2x2x1
jax: 0.10.2.dev20260603
libtpu: 0.0.44.dev20260713+nightly
codegen_flags: <defaults>
</compile_context>

<pallas_src>
import functools

import jax
import jax.numpy as jnp
from jax import lax
from jax.experimental import pallas as pl
from jax.experimental.pallas import tpu as pltpu
from jax.experimental.pallas import tpu_sc as plsc

N = 10000
E = 160000
D = 128
K = 4
N_PAD = 10240
CH = 128
EP = 163840
ROWS = EP // CH
TILES = 32
RPT = ROWS // TILES
RPS = N_PAD // 16
CW = 16
CR = N_PAD * CW // D
CPS = CR // 16
BN = 400
GRID = N // BN



def _tab1_body(x_ref, w_ref, o_ref):
    xb = x_ref[...]
    for j in range(K):
        o_ref[j] = jnp.dot(xb, w_ref[j], preferred_element_type=jnp.float32)


def _tab2_body(p_ref, c_ref, x_ref, wb1_ref, b1_ref, w2_ref, t2_ref, h_ref):
    cn = c_ref[0] + c_ref[1]
    xb = x_ref[...]
    acc = p_ref[0] + p_ref[1]
    for k in range(K):
        z = jnp.dot(xb, wb1_ref[k], preferred_element_type=jnp.float32) + b1_ref[k]
        acc = acc + cn[:, k:k + 1] * z
    h = jnp.maximum(acc, 0.0)
    for j in range(K):
        t2_ref[j] = jnp.dot(h, w2_ref[j], preferred_element_type=jnp.float32)
    h_ref[...] = h


def _fin_body(p_ref, c_ref, h_ref, wb2_ref, b2_ref, o_ref):
    cn = c_ref[0] + c_ref[1]
    hb = h_ref[...]
    acc = p_ref[0] + p_ref[1]
    for k in range(K):
        z = jnp.dot(hb, wb2_ref[k], preferred_element_type=jnp.float32) + b2_ref[k]
        acc = acc + cn[:, k:k + 1] * z
    o_ref[...] = acc


def _tables_step1(x, w):
    return pl.pallas_call(
        _tab1_body,
        grid=(GRID,),
        in_specs=[
            pl.BlockSpec((BN, D), lambda i: (i, 0)),
            pl.BlockSpec((K, D, D), lambda i: (0, 0, 0)),
        ],
        out_specs=pl.BlockSpec((K, BN, D), lambda i: (0, i, 0)),
        out_shape=jax.ShapeDtypeStruct((K, N, D), jnp.float32),
    )(x, w)


def _tables_step2(p, cnt, x, wb1, b1, w2):
    return pl.pallas_call(
        _tab2_body,
        grid=(GRID,),
        in_specs=[
            pl.BlockSpec((2, BN, D), lambda i: (0, i, 0)),
            pl.BlockSpec((2, BN, CW), lambda i: (0, i, 0)),
            pl.BlockSpec((BN, D), lambda i: (i, 0)),
            pl.BlockSpec((K, D, D), lambda i: (0, 0, 0)),
            pl.BlockSpec((K, D), lambda i: (0, 0)),
            pl.BlockSpec((K, D, D), lambda i: (0, 0, 0)),
        ],
        out_specs=[
            pl.BlockSpec((K, BN, D), lambda i: (0, i, 0)),
            pl.BlockSpec((BN, D), lambda i: (i, 0)),
        ],
        out_shape=[
            jax.ShapeDtypeStruct((K, N, D), jnp.float32),
            jax.ShapeDtypeStruct((N, D), jnp.float32),
        ],
    )(p, cnt, x, wb1, b1, w2)


def _finish(p, cnt, h, wb2, b2):
    return pl.pallas_call(
        _fin_body,
        grid=(GRID,),
        in_specs=[
            pl.BlockSpec((2, BN, D), lambda i: (0, i, 0)),
            pl.BlockSpec((2, BN, CW), lambda i: (0, i, 0)),
            pl.BlockSpec((BN, D), lambda i: (i, 0)),
            pl.BlockSpec((K, D, D), lambda i: (0, 0, 0)),
            pl.BlockSpec((K, D), lambda i: (0, 0)),
        ],
        out_specs=pl.BlockSpec((BN, D), lambda i: (i, 0)),
        out_shape=jax.ShapeDtypeStruct((N, D), jnp.float32),
    )(p, cnt, h, wb2, b2)



def _sc_body(t_hbm, gidx_hbm, sidx_hbm, z_hbm, out_hbm,
             gidx_v, s0, s1, r0, r1, acc, g0, g1, e0, e1, w0, w1):
    cid = lax.axis_index("c")
    sid = lax.axis_index("s")
    tid = cid * 16 + sid
    base = tid * RPT
    pltpu.sync_copy(gidx_hbm.at[pl.ds(base, RPT)], gidx_v)
    pltpu.sync_copy(z_hbm, acc.at[pl.ds(sid * RPS, RPS)])
    plsc.subcore_barrier()

    pltpu.async_copy(t_hbm.at[gidx_v.at[0]], r0, g0)
    pltpu.async_copy(sidx_hbm.at[pl.ds(base, 1)], s0, e0)
    pltpu.async_copy(t_hbm.at[gidx_v.at[1]], r1, g1)
    pltpu.async_copy(sidx_hbm.at[pl.ds(base + 1, 1)], s1, e1)

    def step(j, carry):
        t0 = 2 * j
        t1 = t0 + 1
        pltpu.make_async_copy(t_hbm.at[gidx_v.at[t0]], r0, g0).wait()
        pltpu.make_async_copy(sidx_hbm.at[pl.ds(base + t0, 1)], s0, e0).wait()
        pltpu.async_copy(r0, acc.at[s0.at[0]], w0, add=True)

        pltpu.make_async_copy(t_hbm.at[gidx_v.at[t1]], r1, g1).wait()
        pltpu.make_async_copy(sidx_hbm.at[pl.ds(base + t1, 1)], s1, e1).wait()
        pltpu.async_copy(r1, acc.at[s1.at[0]], w1, add=True)

        @pl.when(j < RPT // 2 - 1)
        def _():
            pltpu.make_async_copy(z_hbm.at[pl.ds(0, CH)], r0, w0).wait()
            pltpu.async_copy(t_hbm.at[gidx_v.at[t0 + 2]], r0, g0)
            pltpu.async_copy(sidx_hbm.at[pl.ds(base + t0 + 2, 1)], s0, e0)
            pltpu.make_async_copy(z_hbm.at[pl.ds(0, CH)], r1, w1).wait()
            pltpu.async_copy(t_hbm.at[gidx_v.at[t1 + 2]], r1, g1)
            pltpu.async_copy(sidx_hbm.at[pl.ds(base + t1 + 2, 1)], s1, e1)

        return carry

    lax.fori_loop(0, RPT // 2, step, 0)
    pltpu.make_async_copy(z_hbm.at[pl.ds(0, CH)], r0, w0).wait()
    pltpu.make_async_copy(z_hbm.at[pl.ds(0, CH)], r1, w1).wait()
    plsc.subcore_barrier()

    def wstep(kk, carry):
        r = sid * RPS + kk * CH
        pltpu.sync_copy(acc.at[pl.ds(r, CH)], r0)
        pltpu.sync_copy(r0, out_hbm.at[pl.ds(cid * N_PAD + r, CH)])
        return carry

    lax.fori_loop(0, RPS // CH, wstep, 0)


@functools.cache
def _sc_gather_scatter():
    return pl.kernel(
        _sc_body,
        mesh=plsc.VectorSubcoreMesh(core_axis_name="c", subcore_axis_name="s"),
        out_type=jax.ShapeDtypeStruct((2 * N_PAD, D), jnp.float32),
        scratch_types=[
            pltpu.VMEM((RPT, CH), jnp.int32),
            pltpu.VMEM((1, CH), jnp.int32),
            pltpu.VMEM((1, CH), jnp.int32),
            pltpu.VMEM((CH, D), jnp.float32),
            pltpu.VMEM((CH, D), jnp.float32),
            pltpu.VMEM_SHARED((N_PAD, D), jnp.float32),
            pltpu.SemaphoreType.DMA,
            pltpu.SemaphoreType.DMA,
            pltpu.SemaphoreType.DMA,
            pltpu.SemaphoreType.DMA,
            pltpu.SemaphoreType.DMA,
            pltpu.SemaphoreType.DMA,
        ],
    )



def _cnt_body(id_hbm, ocv_hbm, sidx_hbm, z_hbm, out_hbm,
              ocv, s0, s1, c0, c1, idv, cacc, g0, g1, e0, e1):
    cid = lax.axis_index("c")
    sid = lax.axis_index("s")
    tid = cid * 16 + sid
    base = tid * RPT
    pltpu.sync_copy(ocv_hbm.at[pl.ds(base, RPT)], ocv)
    @pl.when(sid == 0)
    def _():
        pltpu.sync_copy(id_hbm, idv)
    pltpu.sync_copy(z_hbm.at[pl.ds(0, CPS)], cacc.at[pl.ds(sid * CPS, CPS)])
    plsc.subcore_barrier()

    pltpu.async_copy(idv.at[ocv.at[0]], c0, g0)
    pltpu.async_copy(sidx_hbm.at[pl.ds(base, 1)], s0, e0)
    pltpu.async_copy(idv.at[ocv.at[1]], c1, g1)
    pltpu.async_copy(sidx_hbm.at[pl.ds(base + 1, 1)], s1, e1)

    def step(j, carry):
        t0 = 2 * j
        t1 = t0 + 1
        pltpu.make_async_copy(idv.at[ocv.at[t0]], c0, g0).wait()
        pltpu.make_async_copy(sidx_hbm.at[pl.ds(base + t0, 1)], s0, e0).wait()
        pltpu.sync_copy(c0, cacc.at[s0.at[0]], add=True)

        @pl.when(j < RPT // 2 - 1)
        def _():
            pltpu.async_copy(idv.at[ocv.at[t0 + 2]], c0, g0)
            pltpu.async_copy(sidx_hbm.at[pl.ds(base + t0 + 2, 1)], s0, e0)

        pltpu.make_async_copy(idv.at[ocv.at[t1]], c1, g1).wait()
        pltpu.make_async_copy(sidx_hbm.at[pl.ds(base + t1, 1)], s1, e1).wait()
        pltpu.sync_copy(c1, cacc.at[s1.at[0]], add=True)

        @pl.when(j < RPT // 2 - 1)
        def _():
            pltpu.async_copy(idv.at[ocv.at[t1 + 2]], c1, g1)
            pltpu.async_copy(sidx_hbm.at[pl.ds(base + t1 + 2, 1)], s1, e1)

        return carry

    lax.fori_loop(0, RPT // 2, step, 0)
    plsc.subcore_barrier()

    r = sid * CPS
    pltpu.sync_copy(cacc.at[pl.ds(r, CPS)], c0.at[pl.ds(0, CPS)])
    pltpu.sync_copy(c0.at[pl.ds(0, CPS)], out_hbm.at[pl.ds(cid * CR + r, CPS)])


@functools.cache
def _sc_count():
    return pl.kernel(
        _cnt_body,
        mesh=plsc.VectorSubcoreMesh(core_axis_name="c", subcore_axis_name="s"),
        out_type=jax.ShapeDtypeStruct((2 * CR, D), jnp.float32),
        scratch_types=[
            pltpu.VMEM((RPT, CH), jnp.int32),
            pltpu.VMEM((1, CH), jnp.int32),
            pltpu.VMEM((1, CH), jnp.int32),
            pltpu.VMEM((CH, D), jnp.float32),
            pltpu.VMEM((CH, D), jnp.float32),
            pltpu.VMEM_SHARED((D, D), jnp.float32),
            pltpu.VMEM_SHARED((CR, D), jnp.float32),
            pltpu.SemaphoreType.DMA,
            pltpu.SemaphoreType.DMA,
            pltpu.SemaphoreType.DMA,
            pltpu.SemaphoreType.DMA,
        ],
    )



def kernel(x, edge_index, edge_attr, node_ids, W1, b1, W2, b2):
    src = edge_index[0]
    dst = edge_index[1]
    et = edge_attr

    pad = EP - E
    ar = jnp.arange(pad, dtype=jnp.int32)
    gidx = jnp.concatenate([et * N + src, ar % 128]).reshape(ROWS, CH)
    sidx = jnp.concatenate([dst, N + ar % (N_PAD - N)]).reshape(ROWS, CH)
    ohcol = jnp.concatenate([(dst % 8) * CW + et,
                             jnp.zeros((pad,), jnp.int32)]).reshape(ROWS, CH)
    sidx8 = jnp.concatenate([dst // 8, N // 8 + ar % (CR - N // 8)]).reshape(ROWS, CH)
    ident = jnp.eye(D, dtype=jnp.float32)
    zrows = jnp.zeros((RPS, D), jnp.float32)

    W1t = W1[:, :D, :]
    W1b = W1[:, D:, :]
    W2t = W2[:, :D, :]
    W2b = W2[:, D:, :]

    cnt = _sc_count()(ident, ohcol, sidx8, zrows)
    cnt = cnt.reshape(2, N_PAD, CW)
    t1 = _tables_step1(x, W1t)
    p1 = _sc_gather_scatter()(t1.reshape(K * N, D), gidx, sidx, zrows)
    t2, h = _tables_step2(p1.reshape(2, N_PAD, D), cnt, x, W1b, b1, W2t)
    p2 = _sc_gather_scatter()(t2.reshape(K * N, D), gidx, sidx, zrows)
    return _finish(p2.reshape(2, N_PAD, D), cnt, h, W2b, b2)

# --- scband reference (transcript-rebuilt; emitter-appended) ---
"""Pipeline reference for scband-disjoint-gnn-76235669504167 (READ-ONLY COPY).

The authoritative reference and input builder live on the scoring server;
editing this copy changes nothing except your own understanding.
"""

import jax, jax.numpy as jnp
import numpy as np

N = 10000
E = 160000
D = 128
K = 4  # edge_dim: number of disjoint edge-type parameter banks


def _glorot(key, shape, fan_in):
    return jax.random.normal(key, shape, dtype=jnp.float32) * (1.0 / np.sqrt(fan_in))


def setup_inputs(seed: int = 0) -> dict:
    key = jax.random.key(seed)
    ks = jax.random.split(key, 8)
    x = jax.random.normal(ks[0], (N, D), dtype=jnp.float32)
    edge_index = jax.random.randint(ks[1], (2, E), 0, N, dtype=jnp.int32)
    edge_attr = jax.random.randint(ks[2], (E,), 0, K, dtype=jnp.int32)
    node_ids = jnp.arange(N, dtype=jnp.int32)
    # Two message-passing steps (len(c_list)-1)//m_layers = 2, each with one
    # DisjointDense message layer: per-edge-type weights [K, 2*D, D]
    # (use_i_in_message_ij=True doubles the input dim via concat([x_j, x_i])).
    W1 = _glorot(ks[3], (K, 2 * D, D), 2 * D)
    b1 = jnp.zeros((K, D), dtype=jnp.float32)
    W2 = _glorot(ks[4], (K, 2 * D, D), 2 * D)
    b2 = jnp.zeros((K, D), dtype=jnp.float32)
    return {"x": x, "edge_index": edge_index, "edge_attr": edge_attr,
            "node_ids": node_ids, "W1": W1, "b1": b1, "W2": W2, "b2": b2}


def _disjoint_conv(x, src, dst, etype, W, b):
    # message(x_i, x_j, edge_attr): h = cat([x_j, x_i]); DisjointDense selects
    # the weight matrix per edge according to its edge type.
    h = jnp.concatenate([x[src], x[dst]], axis=-1)  # [E, 2D]
    # Project against all K type banks, then select per-edge bank (avoids
    # materializing a [E, 2D, D] gathered weight tensor).
    proj = jnp.einsum('ni,kio->nko', h, W)  # [E, K, D]
    msg = jnp.take_along_axis(proj, etype[:, None, None], axis=1)[:, 0, :] + b[etype]
    # aggr='add' scatter at destination nodes
    return jax.ops.segment_sum(msg, dst, num_segments=N)


def reference(x, edge_index, edge_attr, node_ids, W1, b1, W2, b2):
    # residual=0 -> node_ids unused; dropout in eval mode -> identity.
    src = edge_index[0]
    dst = edge_index[1]
    h = jax.nn.relu(_disjoint_conv(x, src, dst, edge_attr, W1, b1))  # step 1: relu act
    out = _disjoint_conv(h, src, dst, edge_attr, W2, b2)  # step 2 (last): identity act, dropout p=0
    return out

if __name__ == "__main__":
    import jax
    _d = setup_inputs()
    print(jax.jit(kernel)(*tuple(_d.values())))

</pallas_src>

<mosaic_0001>
#map = affine_map<(d0, d1) -> (0, 0)>
module attributes {stable_mosaic.version = 14 : i64} {
  func.func @_cnt_body(%arg0: i32, %arg1: i32, %arg2: memref<128x128xf32, #tpu.memory_space<hbm>>, %arg3: memref<1280x128xi32, #tpu.memory_space<hbm>>, %arg4: memref<1280x128xi32, #tpu.memory_space<hbm>>, %arg5: memref<640x128xf32, #tpu.memory_space<hbm>>, %arg6: memref<2560x128xf32, #tpu.memory_space<hbm>>, %arg7: memref<40x128xi32, #tpu.memory_space<vmem>>, %arg8: memref<1x128xi32, #tpu.memory_space<vmem>>, %arg9: memref<1x128xi32, #tpu.memory_space<vmem>>, %arg10: memref<128x128xf32, #tpu.memory_space<vmem>>, %arg11: memref<128x128xf32, #tpu.memory_space<vmem>>, %arg12: memref<128x128xf32, #tpu.memory_space<vmem_shared>>, %arg13: memref<1280x128xf32, #tpu.memory_space<vmem_shared>>, %arg14: memref<!tpu.dma_semaphore, #tpu.memory_space<semaphore_mem>>, %arg15: memref<!tpu.dma_semaphore, #tpu.memory_space<semaphore_mem>>, %arg16: memref<!tpu.dma_semaphore, #tpu.memory_space<semaphore_mem>>, %arg17: memref<!tpu.dma_semaphore, #tpu.memory_space<semaphore_mem>>) attributes {dimension_semantics = [#tpu.dimension_semantics<core_parallel>, #tpu.dimension_semantics<subcore_parallel>], iteration_bounds = array<i64: 2, 16>, scalar_prefetch = 0 : i64, scratch_operands = 11 : i64, tpu.core_type = #tpu.core_type<sc_vector_subcore>, window_params = [{transform_indices = #map}, {transform_indices = #map}, {transform_indices = #map}, {transform_indices = #map}, {transform_indices = #map}]} {
    %mul3A = arith.constant 16 : i32
    %mul3A_0 = arith.muli %arg0, %mul3A : i32
    %add3A = arith.addi %mul3A_0, %arg1 : i32
    %mul3A_1 = arith.constant 40 : i32
    %mul3A_2 = arith.muli %add3A, %mul3A_1 : i32
    "tpu.region"() ({
      %run_scoped3A = tpu.sem_alloc : memref<!tpu.dma_semaphore, #tpu.memory_space<semaphore_mem>>
      %dma_start3A_41 = arith.constant 0 : i32
      %dma_start3A_42 = tpu.memref_slice %arg3[%mul3A_2, %dma_start3A_41] : memref<1280x128xi32, #tpu.memory_space<hbm>> -> memref<40x128xi32, #tpu.memory_space<hbm>>
      %dma_start3A_43 = arith.constant 0 : i32
      %dma_start3A_44 = tpu.memref_slice %arg3[%mul3A_2, %dma_start3A_43] : memref<1280x128xi32, #tpu.memory_space<hbm>> -> memref<40x128xi32, #tpu.memory_space<hbm>>
      tpu.enqueue_dma source(%dma_start3A_44 : memref<40x128xi32, #tpu.memory_space<hbm>>) target(%arg7 : memref<40x128xi32, #tpu.memory_space<vmem>>) target_semaphore(%run_scoped3A : memref<!tpu.dma_semaphore, #tpu.memory_space<semaphore_mem>>)
      %dma_wait3A = arith.constant 0 : i32
      %dma_wait3A_45 = tpu.memref_slice %arg3[%mul3A_2, %dma_wait3A] : memref<1280x128xi32, #tpu.memory_space<hbm>> -> memref<40x128xi32, #tpu.memory_space<hbm>>
      %dma_wait3A_46 = arith.constant 0 : i32
      %dma_wait3A_47 = tpu.memref_slice %arg3[%mul3A_2, %dma_wait3A_46] : memref<1280x128xi32, #tpu.memory_space<hbm>> -> memref<40x128xi32, #tpu.memory_space<hbm>>
      tpu.wait_dma2 semaphore(%run_scoped3A : memref<!tpu.dma_semaphore, #tpu.memory_space<semaphore_mem>>) src(%dma_wait3A_47 : memref<40x128xi32, #tpu.memory_space<hbm>>) dst(%arg7 : memref<40x128xi32, #tpu.memory_space<vmem>>)
      tpu.yield
    }) : () -> ()
    %eq3A = arith.constant 0 : i32
    %eq3A_3 = arith.cmpi eq, %arg1, %eq3A : i32
    %convert_element_type3A = arith.extui %eq3A_3 : i1 to i32
    %cond3A = arith.constant 0 : i32
    %cond3A_4 = arith.cmpi ne, %convert_element_type3A, %cond3A : i32
    scf.if %cond3A_4 {
      "tpu.region"() ({
        %run_scoped3A = tpu.sem_alloc : memref<!tpu.dma_semaphore, #tpu.memory_space<semaphore_mem>>
        tpu.enqueue_dma source(%arg2 : memref<128x128xf32, #tpu.memory_space<hbm>>) target(%arg12 : memref<128x128xf32, #tpu.memory_space<vmem_shared>>) target_semaphore(%run_scoped3A : memref<!tpu.dma_semaphore, #tpu.memory_space<semaphore_mem>>)
        tpu.wait_dma2 semaphore(%run_scoped3A : memref<!tpu.dma_semaphore, #tpu.memory_space<semaphore_mem>>) src(%arg2 : memref<128x128xf32, #tpu.memory_space<hbm>>) dst(%arg12 : memref<128x128xf32, #tpu.memory_space<vmem_shared>>)
        tpu.yield
      }) : () -> ()
    } else {
    }
    %mul3A_5 = arith.constant 80 : i32
    %mul3A_6 = arith.muli %arg1, %mul3A_5 : i32
    "tpu.region"() ({
      %run_scoped3A = tpu.sem_alloc : memref<!tpu.dma_semaphore, #tpu.memory_space<semaphore_mem>>
      %dma_start3A_41 = arith.constant 0 : i32
      %dma_start3A_42 = tpu.memref_slice %arg13[%mul3A_6, %dma_start3A_41] : memref<1280x128xf32, #tpu.memory_space<vmem_shared>> -> memref<80x128xf32, #tpu.memory_space<vmem_shared>>
      %dma_start3A_43 = arith.constant 0 : i32
      %dma_start3A_44 = arith.constant 0 : i32
      %dma_start3A_45 = tpu.memref_slice %arg5[%dma_start3A_43, %dma_start3A_44] : memref<640x128xf32, #tpu.memory_space<hbm>> -> memref<80x128xf32, #tpu.memory_space<hbm>>
      tpu.enqueue_dma source(%dma_start3A_45 : memref<80x128xf32, #tpu.memory_space<hbm>>) target(%dma_start3A_42 : memref<80x128xf32, #tpu.memory_space<vmem_shared>>) target_semaphore(%run_scoped3A : memref<!tpu.dma_semaphore, #tpu.memory_space<semaphore_mem>>)
      %dma_wait3A = arith.constant 0 : i32
      %dma_wait3A_46 = tpu.memref_slice %arg13[%mul3A_6, %dma_wait3A] : memref<1280x128xf32, #tpu.memory_space<vmem_shared>> -> memref<80x128xf32, #tpu.memory_space<vmem_shared>>
      %dma_wait3A_47 = arith.constant 0 : i32
      %dma_wait3A_48 = arith.constant 0 : i32
      %dma_wait3A_49 = tpu.memref_slice %arg5[%dma_wait3A_47, %dma_wait3A_48] : memref<640x128xf32, #tpu.memory_space<hbm>> -> memref<80x128xf32, #tpu.memory_space<hbm>>
      tpu.wait_dma2 semaphore(%run_scoped3A : memref<!tpu.dma_semaphore, #tpu.memory_space<semaphore_mem>>) src(%dma_wait3A_49 : memref<80x128xf32, #tpu.memory_space<hbm>>) dst(%dma_wait3A_46 : memref<80x128xf32, #tpu.memory_space<vmem_shared>>)
      tpu.yield
    }) : () -> ()
    %barrier3A = arith.constant 0 : index
    tpu.barrier barrier_id(%barrier3A)
    %dma_start3A = arith.constant 0 : i32
    %dma_start3A_7 = arith.constant 0 : i32
    %dma_start3A_8 = tpu.memref_slice %arg7[%dma_start3A, %dma_start3A_7] : memref<40x128xi32, #tpu.memory_space<vmem>> -> memref<1x128xi32, #tpu.memory_space<vmem>>
    %dma_start3A_9 = tpu.memref_squeeze %dma_start3A_8 : memref<1x128xi32, #tpu.memory_space<vmem>> -> memref<128xi32, #tpu.memory_space<vmem>>
    %dma_start3A_10 = arith.constant 0 : i32
    %dma_start3A_11 = arith.constant 0 : i32
    %dma_start3A_12 = tpu.memref_slice %arg12[%dma_start3A_10, %dma_start3A_11] : memref<128x128xf32, #tpu.memory_space<vmem_shared>> -> memref<128x128xf32, #tpu.memory_space<vmem_shared>>
    tpu.enqueue_indirect_dma source(%dma_start3A_12 : memref<128x128xf32, #tpu.memory_space<vmem_shared>>) target(%arg10 : memref<128x128xf32, #tpu.memory_space<vmem>>) offsets(%dma_start3A_9 : memref<128xi32, #tpu.memory_space<vmem>>) semaphore(%arg14 : memref<!tpu.dma_semaphore, #tpu.memory_space<semaphore_mem>>)
    %dma_start3A_13 = arith.constant 0 : i32
    %dma_start3A_14 = tpu.memref_slice %arg4[%mul3A_2, %dma_start3A_13] : memref<1280x128xi32, #tpu.memory_space<hbm>> -> memref<1x128xi32, #tpu.memory_space<hbm>>
    %dma_start3A_15 = arith.constant 0 : i32
    %dma_start3A_16 = tpu.memref_slice %arg4[%mul3A_2, %dma_start3A_15] : memref<1280x128xi32, #tpu.memory_space<hbm>> -> memref<1x128xi32, #tpu.memory_space<hbm>>
    tpu.enqueue_dma source(%dma_start3A_16 : memref<1x128xi32, #tpu.memory_space<hbm>>) target(%arg8 : memref<1x128xi32, #tpu.memory_space<vmem>>) target_semaphore(%arg16 : memref<!tpu.dma_semaphore, #tpu.memory_space<semaphore_mem>>)
    %dma_start3A_17 = arith.constant 1 : i32
    %dma_start3A_18 = arith.constant 0 : i32
    %dma_start3A_19 = tpu.memref_slice %arg7[%dma_start3A_17, %dma_start3A_18] : memref<40x128xi32, #tpu.memory_space<vmem>> -> memref<1x128xi32, #tpu.memory_space<vmem>>
    %dma_start3A_20 = tpu.memref_squeeze %dma_start3A_19 : memref<1x128xi32, #tpu.memory_space<vmem>> -> memref<128xi32, #tpu.memory_space<vmem>>
    %dma_start3A_21 = arith.constant 0 : i32
    %dma_start3A_22 = arith.constant 0 : i32
    %dma_start3A_23 = tpu.memref_slice %arg12[%dma_start3A_21, %dma_start3A_22] : memref<128x128xf32, #tpu.memory_space<vmem_shared>> -> memref<128x128xf32, #tpu.memory_space<vmem_shared>>
    tpu.enqueue_indirect_dma source(%dma_start3A_23 : memref<128x128xf32, #tpu.memory_space<vmem_shared>>) target(%arg11 : memref<128x128xf32, #tpu.memory_space<vmem>>) offsets(%dma_start3A_20 : memref<128xi32, #tpu.memory_space<vmem>>) semaphore(%arg15 : memref<!tpu.dma_semaphore, #tpu.memory_space<semaphore_mem>>)
    %add3A_24 = arith.constant 1 : i32
    %add3A_25 = arith.addi %mul3A_2, %add3A_24 : i32
    %dma_start3A_26 = arith.constant 0 : i32
    %dma_start3A_27 = tpu.memref_slice %arg4[%add3A_25, %dma_start3A_26] : memref<1280x128xi32, #tpu.memory_space<hbm>> -> memref<1x128xi32, #tpu.memory_space<hbm>>
    %dma_start3A_28 = arith.constant 0 : i32
    %dma_start3A_29 = tpu.memref_slice %arg4[%add3A_25, %dma_start3A_28] : memref<1280x128xi32, #tpu.memory_space<hbm>> -> memref<1x128xi32, #tpu.memory_space<hbm>>
    tpu.enqueue_dma source(%dma_start3A_29 : memref<1x128xi32, #tpu.memory_space<hbm>>) target(%arg9 : memref<1x128xi32, #tpu.memory_space<vmem>>) target_semaphore(%arg17 : memref<!tpu.dma_semaphore, #tpu.memory_space<semaphore_mem>>)
    %scan3A = arith.constant 0 : i32
    %scan3A_30 = arith.constant 0 : i32
    %scan3A_31 = arith.constant 20 : i32
    %scan3A_32 = arith.addi %scan3A_30, %scan3A_31 : i32
    %scan3A_33 = arith.constant 1 : i32
    scf.for %scan3A_41 = %scan3A_30 to %scan3A_32 step %scan3A_33  : i32 {
      %mul3A_42 = arith.constant 2 : i32
      %mul3A_43 = arith.muli %mul3A_42, %scan3A_41 : i32
      %add3A_44 = arith.constant 1 : i32
      %add3A_45 = arith.addi %mul3A_43, %add3A_44 : i32
      %dma_wait3A = arith.constant 0 : i32
      %dma_wait3A_46 = tpu.memref_slice %arg7[%mul3A_43, %dma_wait3A] : memref<40x128xi32, #tpu.memory_space<vmem>> -> memref<1x128xi32, #tpu.memory_space<vmem>>
      %dma_wait3A_47 = tpu.memref_squeeze %dma_wait3A_46 : memref<1x128xi32, #tpu.memory_space<vmem>> -> memref<128xi32, #tpu.memory_space<vmem>>
      %dma_wait3A_48 = arith.constant 0 : i32
      %dma_wait3A_49 = arith.constant 0 : i32
      %dma_wait3A_50 = tpu.memref_slice %arg12[%dma_wait3A_48, %dma_wait3A_49] : memref<128x128xf32, #tpu.memory_space<vmem_shared>> -> memref<128x128xf32, #tpu.memory_space<vmem_shared>>
      tpu.wait_indirect_dma semaphore(%arg14 : memref<!tpu.dma_semaphore, #tpu.memory_space<semaphore_mem>>) src(%dma_wait3A_50 : memref<128x128xf32, #tpu.memory_space<vmem_shared>>) dst(%arg10 : memref<128x128xf32, #tpu.memory_space<vmem>>)
      %add3A_51 = arith.addi %mul3A_2, %mul3A_43 : i32
      %dma_wait3A_52 = arith.constant 0 : i32
      %dma_wait3A_53 = tpu.memref_slice %arg4[%add3A_51, %dma_wait3A_52] : memref<1280x128xi32, #tpu.memory_space<hbm>> -> memref<1x128xi32, #tpu.memory_space<hbm>>
      %dma_wait3A_54 = arith.constant 0 : i32
      %dma_wait3A_55 = tpu.memref_slice %arg4[%add3A_51, %dma_wait3A_54] : memref<1280x128xi32, #tpu.memory_space<hbm>> -> memref<1x128xi32, #tpu.memory_space<hbm>>
      tpu.wait_dma2 semaphore(%arg16 : memref<!tpu.dma_semaphore, #tpu.memory_space<semaphore_mem>>) src(%dma_wait3A_55 : memref<1x128xi32, #tpu.memory_space<hbm>>) dst(%arg8 : memref<1x128xi32, #tpu.memory_space<vmem>>)
      %run_scoped3A = arith.constant 0 : i32
      "tpu.region"() ({
        %run_scoped3A_77 = tpu.sem_alloc : memref<!tpu.dma_semaphore, #tpu.memory_space<semaphore_mem>>
        %dma_start3A_78 = arith.constant 0 : i32
        %dma_start3A_79 = tpu.memref_slice %arg8[%run_scoped3A, %dma_start3A_78] : memref<1x128xi32, #tpu.memory_space<vmem>> -> memref<1x128xi32, #tpu.memory_space<vmem>>
        %dma_start3A_80 = tpu.memref_squeeze %dma_start3A_79 : memref<1x128xi32, #tpu.memory_space<vmem>> -> memref<128xi32, #tpu.memory_space<vmem>>
        %dma_start3A_81 = arith.constant 0 : i32
        %dma_start3A_82 = arith.constant 0 : i32
        %dma_start3A_83 = tpu.memref_slice %arg13[%dma_start3A_81, %dma_start3A_82] : memref<1280x128xf32, #tpu.memory_space<vmem_shared>> -> memref<1280x128xf32, #tpu.memory_space<vmem_shared>>
        tpu.enqueue_indirect_dma source(%arg10 : memref<128x128xf32, #tpu.memory_space<vmem>>) target(%dma_start3A_83 : memref<1280x128xf32, #tpu.memory_space<vmem_shared>>) offsets(%dma_start3A_80 : memref<128xi32, #tpu.memory_space<vmem>>) semaphore(%run_scoped3A_77 : memref<!tpu.dma_semaphore, #tpu.memory_space<semaphore_mem>>) {add = true}
        %dma_wait3A_84 = arith.constant 0 : i32
        %dma_wait3A_85 = tpu.memref_slice %arg8[%run_scoped3A, %dma_wait3A_84] : memref<1x128xi32, #tpu.memory_space<vmem>> -> memref<1x128xi32, #tpu.memory_space<vmem>>
        %dma_wait3A_86 = tpu.memref_squeeze %dma_wait3A_85 : memref<1x128xi32, #tpu.memory_space<vmem>> -> memref<128xi32, #tpu.memory_space<vmem>>
        %dma_wait3A_87 = arith.constant 0 : i32
        %dma_wait3A_88 = arith.constant 0 : i32
        %dma_wait3A_89 = tpu.memref_slice %arg13[%dma_wait3A_87, %dma_wait3A_88] : memref<1280x128xf32, #tpu.memory_space<vmem_shared>> -> memref<1280x128xf32, #tpu.memory_space<vmem_shared>>
        tpu.wait_indirect_dma semaphore(%run_scoped3A_77 : memref<!tpu.dma_semaphore, #tpu.memory_space<semaphore_mem>>) src(%arg10 : memref<128x128xf32, #tpu.memory_space<vmem>>) dst(%dma_wait3A_89 : memref<1280x128xf32, #tpu.memory_space<vmem_shared>>)
        tpu.yield
      }) : () -> ()
      %lt3A = arith.constant 19 : i32
      %lt3A_56 = arith.cmpi slt, %scan3A_41, %lt3A : i32
      %convert_element_type3A_57 = arith.extui %lt3A_56 : i1 to i32
      %cond3A_58 = arith.constant 0 : i32
      %cond3A_59 = arith.cmpi ne, %convert_element_type3A_57, %cond3A_58 : i32
      scf.if %cond3A_59 {
        %add3A_77 = arith.constant 2 : i32
        %add3A_78 = arith.addi %mul3A_43, %add3A_77 : i32
        %dma_start3A_79 = arith.constant 0 : i32
        %dma_start3A_80 = tpu.memref_slice %arg7[%add3A_78, %dma_start3A_79] : memref<40x128xi32, #tpu.memory_space<vmem>> -> memref<1x128xi32, #tpu.memory_space<vmem>>
        %dma_start3A_81 = tpu.memref_squeeze %dma_start3A_80 : memref<1x128xi32, #tpu.memory_space<vmem>> -> memref<128xi32, #tpu.memory_space<vmem>>
        %dma_start3A_82 = arith.constant 0 : i32
        %dma_start3A_83 = arith.constant 0 : i32
        %dma_start3A_84 = tpu.memref_slice %arg12[%dma_start3A_82, %dma_start3A_83] : memref<128x128xf32, #tpu.memory_space<vmem_shared>> -> memref<128x128xf32, #tpu.memory_space<vmem_shared>>
        tpu.enqueue_indirect_dma source(%dma_start3A_84 : memref<128x128xf32, #tpu.memory_space<vmem_shared>>) target(%arg10 : memref<128x128xf32, #tpu.memory_space<vmem>>) offsets(%dma_start3A_81 : memref<128xi32, #tpu.memory_space<vmem>>) semaphore(%arg14 : memref<!tpu.dma_semaphore, #tpu.memory_space<semaphore_mem>>)
        %add3A_85 = arith.addi %mul3A_2, %mul3A_43 : i32
        %add3A_86 = arith.constant 2 : i32
        %add3A_87 = arith.addi %add3A_85, %add3A_86 : i32
        %dma_start3A_88 = arith.constant 0 : i32
        %dma_start3A_89 = tpu.memref_slice %arg4[%add3A_87, %dma_start3A_88] : memref<1280x128xi32, #tpu.memory_space<hbm>> -> memref<1x128xi32, #tpu.memory_space<hbm>>
        %dma_start3A_90 = arith.constant 0 : i32
        %dma_start3A_91 = tpu.memref_slice %arg4[%add3A_87, %dma_start3A_90] : memref<1280x128xi32, #tpu.memory_space<hbm>> -> memref<1x128xi32, #tpu.memory_space<hbm>>
        tpu.enqueue_dma source(%dma_start3A_91 : memref<1x128xi32, #tpu.memory_space<hbm>>) target(%arg8 : memref<1x128xi32, #tpu.memory_space<vmem>>) target_semaphore(%arg16 : memref<!tpu.dma_semaphore, #tpu.memory_space<semaphore_mem>>)
      } else {
      }
      %dma_wait3A_60 = arith.constant 0 : i32
      %dma_wait3A_61 = tpu.memref_slice %arg7[%add3A_45, %dma_wait3A_60] : memref<40x128xi32, #tpu.memory_space<vmem>> -> memref<1x128xi32, #tpu.memory_space<vmem>>
      %dma_wait3A_62 = tpu.memref_squeeze %dma_wait3A_61 : memref<1x128xi32, #tpu.memory_space<vmem>> -> memref<128xi32, #tpu.memory_space<vmem>>
      %dma_wait3A_63 = arith.constant 0 : i32
      %dma_wait3A_64 = arith.constant 0 : i32
      %dma_wait3A_65 = tpu.memref_slice %arg12[%dma_wait3A_63, %dma_wait3A_64] : memref<128x128xf32, #tpu.memory_space<vmem_shared>> -> memref<128x128xf32, #tpu.memory_space<vmem_shared>>
      tpu.wait_indirect_dma semaphore(%arg15 : memref<!tpu.dma_semaphore, #tpu.memory_space<semaphore_mem>>) src(%dma_wait3A_65 : memref<128x128xf32, #tpu.memory_space<vmem_shared>>) dst(%arg11 : memref<128x128xf32, #tpu.memory_space<vmem>>)
      %add3A_66 = arith.addi %mul3A_2, %add3A_45 : i32
      %dma_wait3A_67 = arith.constant 0 : i32
      %dma_wait3A_68 = tpu.memref_slice %arg4[%add3A_66, %dma_wait3A_67] : memref<1280x128xi32, #tpu.memory_space<hbm>> -> memref<1x128xi32, #tpu.memory_space<hbm>>
      %dma_wait3A_69 = arith.constant 0 : i32
      %dma_wait3A_70 = tpu.memref_slice %arg4[%add3A_66, %dma_wait3A_69] : memref<1280x128xi32, #tpu.memory_space<hbm>> -> memref<1x128xi32, #tpu.memory_space<hbm>>
      tpu.wait_dma2 semaphore(%arg17 : memref<!tpu.dma_semaphore, #tpu.memory_space<semaphore_mem>>) src(%dma_wait3A_70 : memref<1x128xi32, #tpu.memory_space<hbm>>) dst(%arg9 : memref<1x128xi32, #tpu.memory_space<vmem>>)
      %run_scoped3A_71 = arith.constant 0 : i32
      "tpu.region"() ({
        %run_scoped3A_77 = tpu.sem_alloc : memref<!tpu.dma_semaphore, #tpu.memory_space<semaphore_mem>>
        %dma_start3A_78 = arith.constant 0 : i32
        %dma_start3A_79 = tpu.memref_slice %arg9[%run_scoped3A_71, %dma_start3A_78] : memref<1x128xi32, #tpu.memory_space<vmem>> -> memref<1x128xi32, #tpu.memory_space<vmem>>
        %dma_start3A_80 = tpu.memref_squeeze %dma_start3A_79 : memref<1x128xi32, #tpu.memory_space<vmem>> -> memref<128xi32, #tpu.memory_space<vmem>>
        %dma_start3A_81 = arith.constant 0 : i32
        %dma_start3A_82 = arith.constant 0 : i32
        %dma_start3A_83 = tpu.memref_slice %arg13[%dma_start3A_81, %dma_start3A_82] : memref<1280x128xf32, #tpu.memory_space<vmem_shared>> -> memref<1280x128xf32, #tpu.memory_space<vmem_shared>>
        tpu.enqueue_indirect_dma source(%arg11 : memref<128x128xf32, #tpu.memory_space<vmem>>) target(%dma_start3A_83 : memref<1280x128xf32, #tpu.memory_space<vmem_shared>>) offsets(%dma_start3A_80 : memref<128xi32, #tpu.memory_space<vmem>>) semaphore(%run_scoped3A_77 : memref<!tpu.dma_semaphore, #tpu.memory_space<semaphore_mem>>) {add = true}
        %dma_wait3A_84 = arith.constant 0 : i32
        %dma_wait3A_85 = tpu.memref_slice %arg9[%run_scoped3A_71, %dma_wait3A_84] : memref<1x128xi32, #tpu.memory_space<vmem>> -> memref<1x128xi32, #tpu.memory_space<vmem>>
        %dma_wait3A_86 = tpu.memref_squeeze %dma_wait3A_85 : memref<1x128xi32, #tpu.memory_space<vmem>> -> memref<128xi32, #tpu.memory_space<vmem>>
        %dma_wait3A_87 = arith.constant 0 : i32
        %dma_wait3A_88 = arith.constant 0 : i32
        %dma_wait3A_89 = tpu.memref_slice %arg13[%dma_wait3A_87, %dma_wait3A_88] : memref<1280x128xf32, #tpu.memory_space<vmem_shared>> -> memref<1280x128xf32, #tpu.memory_space<vmem_shared>>
        tpu.wait_indirect_dma semaphore(%run_scoped3A_77 : memref<!tpu.dma_semaphore, #tpu.memory_space<semaphore_mem>>) src(%arg11 : memref<128x128xf32, #tpu.memory_space<vmem>>) dst(%dma_wait3A_89 : memref<1280x128xf32, #tpu.memory_space<vmem_shared>>)
        tpu.yield
      }) : () -> ()
      %lt3A_72 = arith.constant 19 : i32
      %lt3A_73 = arith.cmpi slt, %scan3A_41, %lt3A_72 : i32
      %convert_element_type3A_74 = arith.extui %lt3A_73 : i1 to i32
      %cond3A_75 = arith.constant 0 : i32
      %cond3A_76 = arith.cmpi ne, %convert_element_type3A_74, %cond3A_75 : i32
      scf.if %cond3A_76 {
        %add3A_77 = arith.constant 2 : i32
        %add3A_78 = arith.addi %add3A_45, %add3A_77 : i32
        %dma_start3A_79 = arith.constant 0 : i32
        %dma_start3A_80 = tpu.memref_slice %arg7[%add3A_78, %dma_start3A_79] : memref<40x128xi32, #tpu.memory_space<vmem>> -> memref<1x128xi32, #tpu.memory_space<vmem>>
        %dma_start3A_81 = tpu.memref_squeeze %dma_start3A_80 : memref<1x128xi32, #tpu.memory_space<vmem>> -> memref<128xi32, #tpu.memory_space<vmem>>
        %dma_start3A_82 = arith.constant 0 : i32
        %dma_start3A_83 = arith.constant 0 : i32
        %dma_start3A_84 = tpu.memref_slice %arg12[%dma_start3A_82, %dma_start3A_83] : memref<128x128xf32, #tpu.memory_space<vmem_shared>> -> memref<128x128xf32, #tpu.memory_space<vmem_shared>>
        tpu.enqueue_indirect_dma source(%dma_start3A_84 : memref<128x128xf32, #tpu.memory_space<vmem_shared>>) target(%arg11 : memref<128x128xf32, #tpu.memory_space<vmem>>) offsets(%dma_start3A_81 : memref<128xi32, #tpu.memory_space<vmem>>) semaphore(%arg15 : memref<!tpu.dma_semaphore, #tpu.memory_space<semaphore_mem>>)
        %add3A_85 = arith.addi %mul3A_2, %add3A_45 : i32
        %add3A_86 = arith.constant 2 : i32
        %add3A_87 = arith.addi %add3A_85, %add3A_86 : i32
        %dma_start3A_88 = arith.constant 0 : i32
        %dma_start3A_89 = tpu.memref_slice %arg4[%add3A_87, %dma_start3A_88] : memref<1280x128xi32, #tpu.memory_space<hbm>> -> memref<1x128xi32, #tpu.memory_space<hbm>>
        %dma_start3A_90 = arith.constant 0 : i32
        %dma_start3A_91 = tpu.memref_slice %arg4[%add3A_87, %dma_start3A_90] : memref<1280x128xi32, #tpu.memory_space<hbm>> -> memref<1x128xi32, #tpu.memory_space<hbm>>
        tpu.enqueue_dma source(%dma_start3A_91 : memref<1x128xi32, #tpu.memory_space<hbm>>) target(%arg9 : memref<1x128xi32, #tpu.memory_space<vmem>>) target_semaphore(%arg17 : memref<!tpu.dma_semaphore, #tpu.memory_space<semaphore_mem>>)
      } else {
      }
    }
    %scan3A_34 = arith.constant 20 : i32
    %barrier3A_35 = arith.constant 0 : index
    tpu.barrier barrier_id(%barrier3A_35)
    %mul3A_36 = arith.constant 80 : i32
    %mul3A_37 = arith.muli %arg1, %mul3A_36 : i32
    "tpu.region"() ({
      %run_scoped3A = tpu.sem_alloc : memref<!tpu.dma_semaphore, #tpu.memory_space<semaphore_mem>>
      %dma_start3A_41 = arith.constant 0 : i32
      %dma_start3A_42 = arith.constant 0 : i32
      %dma_start3A_43 = tpu.memref_slice %arg10[%dma_start3A_41, %dma_start3A_42] : memref<128x128xf32, #tpu.memory_space<vmem>> -> memref<80x128xf32, #tpu.memory_space<vmem>>
      %dma_start3A_44 = arith.constant 0 : i32
      %dma_start3A_45 = tpu.memref_slice %arg13[%mul3A_37, %dma_start3A_44] : memref<1280x128xf32, #tpu.memory_space<vmem_shared>> -> memref<80x128xf32, #tpu.memory_space<vmem_shared>>
      %dma_start3A_46 = arith.constant 0 : i32
      %dma_start3A_47 = arith.constant 0 : i32
      %dma_start3A_48 = tpu.memref_slice %arg10[%dma_start3A_46, %dma_start3A_47] : memref<128x128xf32, #tpu.memory_space<vmem>> -> memref<80x128xf32, #tpu.memory_space<vmem>>
      %dma_start3A_49 = arith.constant 0 : i32
      %dma_start3A_50 = tpu.memref_slice %arg13[%mul3A_37, %dma_start3A_49] : memref<1280x128xf32, #tpu.memory_space<vmem_shared>> -> memref<80x128xf32, #tpu.memory_space<vmem_shared>>
      tpu.enqueue_dma source(%dma_start3A_50 : memref<80x128xf32, #tpu.memory_space<vmem_shared>>) target(%dma_start3A_48 : memref<80x128xf32, #tpu.memory_space<vmem>>) target_semaphore(%run_scoped3A : memref<!tpu.dma_semaphore, #tpu.memory_space<semaphore_mem>>)
      %dma_wait3A = arith.constant 0 : i32
      %dma_wait3A_51 = arith.constant 0 : i32
      %dma_wait3A_52 = tpu.memref_slice %arg10[%dma_wait3A, %dma_wait3A_51] : memref<128x128xf32, #tpu.memory_space<vmem>> -> memref<80x128xf32, #tpu.memory_space<vmem>>
      %dma_wait3A_53 = arith.constant 0 : i32
      %dma_wait3A_54 = tpu.memref_slice %arg13[%mul3A_37, %dma_wait3A_53] : memref<1280x128xf32, #tpu.memory_space<vmem_shared>> -> memref<80x128xf32, #tpu.memory_space<vmem_shared>>
      %dma_wait3A_55 = arith.constant 0 : i32
      %dma_wait3A_56 = arith.constant 0 : i32
      %dma_wait3A_57 = tpu.memref_slice %arg10[%dma_wait3A_55, %dma_wait3A_56] : memref<128x128xf32, #tpu.memory_space<vmem>> -> memref<80x128xf32, #tpu.memory_space<vmem>>
      %dma_wait3A_58 = arith.constant 0 : i32
      %dma_wait3A_59 = tpu.memref_slice %arg13[%mul3A_37, %dma_wait3A_58] : memref<1280x128xf32, #tpu.memory_space<vmem_shared>> -> memref<80x128xf32, #tpu.memory_space<vmem_shared>>
      tpu.wait_dma2 semaphore(%run_scoped3A : memref<!tpu.dma_semaphore, #tpu.memory_space<semaphore_mem>>) src(%dma_wait3A_59 : memref<80x128xf32, #tpu.memory_space<vmem_shared>>) dst(%dma_wait3A_57 : memref<80x128xf32, #tpu.memory_space<vmem>>)
      tpu.yield
    }) : () -> ()
    %mul3A_38 = arith.constant 1280 : i32
    %mul3A_39 = arith.muli %arg0, %mul3A_38 : i32
    %add3A_40 = arith.addi %mul3A_39, %mul3A_37 : i32
    "tpu.region"() ({
      %run_scoped3A = tpu.sem_alloc : memref<!tpu.dma_semaphore, #tpu.memory_space<semaphore_mem>>
      %dma_start3A_41 = arith.constant 0 : i32
      %dma_start3A_42 = arith.constant 0 : i32
      %dma_start3A_43 = tpu.memref_slice %arg10[%dma_start3A_41, %dma_start3A_42] : memref<128x128xf32, #tpu.memory_space<vmem>> -> memref<80x128xf32, #tpu.memory_space<vmem>>
      %dma_start3A_44 = arith.constant 0 : i32
      %dma_start3A_45 = tpu.memref_slice %arg6[%add3A_40, %dma_start3A_44] : memref<2560x128xf32, #tpu.memory_space<hbm>> -> memref<80x128xf32, #tpu.memory_space<hbm>>
      %dma_start3A_46 = arith.constant 0 : i32
      %dma_start3A_47 = tpu.memref_slice %arg6[%add3A_40, %dma_start3A_46] : memref<2560x128xf32, #tpu.memory_space<hbm>> -> memref<80x128xf32, #tpu.memory_space<hbm>>
      %dma_start3A_48 = arith.constant 0 : i32
      %dma_start3A_49 = arith.constant 0 : i32
      %dma_start3A_50 = tpu.memref_slice %arg10[%dma_start3A_48, %dma_start3A_49] : memref<128x128xf32, #tpu.memory_space<vmem>> -> memref<80x128xf32, #tpu.memory_space<vmem>>
      tpu.enqueue_dma source(%dma_start3A_50 : memref<80x128xf32, #tpu.memory_space<vmem>>) target(%dma_start3A_47 : memref<80x128xf32, #tpu.memory_space<hbm>>) target_semaphore(%run_scoped3A : memref<!tpu.dma_semaphore, #tpu.memory_space<semaphore_mem>>)
      %dma_wait3A = arith.constant 0 : i32
      %dma_wait3A_51 = arith.constant 0 : i32
      %dma_wait3A_52 = tpu.memref_slice %arg10[%dma_wait3A, %dma_wait3A_51] : memref<128x128xf32, #tpu.memory_space<vmem>> -> memref<80x128xf32, #tpu.memory_space<vmem>>
      %dma_wait3A_53 = arith.constant 0 : i32
      %dma_wait3A_54 = tpu.memref_slice %arg6[%add3A_40, %dma_wait3A_53] : memref<2560x128xf32, #tpu.memory_space<hbm>> -> memref<80x128xf32, #tpu.memory_space<hbm>>
      %dma_wait3A_55 = arith.constant 0 : i32
      %dma_wait3A_56 = tpu.memref_slice %arg6[%add3A_40, %dma_wait3A_55] : memref<2560x128xf32, #tpu.memory_space<hbm>> -> memref<80x128xf32, #tpu.memory_space<hbm>>
      %dma_wait3A_57 = arith.constant 0 : i32
      %dma_wait3A_58 = arith.constant 0 : i32
      %dma_wait3A_59 = tpu.memref_slice %arg10[%dma_wait3A_57, %dma_wait3A_58] : memref<128x128xf32, #tpu.memory_space<vmem>> -> memref<80x128xf32, #tpu.memory_space<vmem>>
      tpu.wait_dma2 semaphore(%run_scoped3A : memref<!tpu.dma_semaphore, #tpu.memory_space<semaphore_mem>>) src(%dma_wait3A_59 : memref<80x128xf32, #tpu.memory_space<vmem>>) dst(%dma_wait3A_56 : memref<80x128xf32, #tpu.memory_space<hbm>>)
      tpu.yield
    }) : () -> ()
    return
  }
}

#map = affine_map<(d0, d1) -> (0, 0)>
module attributes {stable_mosaic.version = 14 : i64} {
  func.func @_sc_body(%arg0: i32, %arg1: i32, %arg2: memref<40000x128xf32, #tpu.memory_space<hbm>>, %arg3: memref<1280x128xi32, #tpu.memory_space<hbm>>, %arg4: memref<1280x128xi32, #tpu.memory_space<hbm>>, %arg5: memref<640x128xf32, #tpu.memory_space<hbm>>, %arg6: memref<20480x128xf32, #tpu.memory_space<hbm>>, %arg7: memref<40x128xi32, #tpu.memory_space<vmem>>, %arg8: memref<1x128xi32, #tpu.memory_space<vmem>>, %arg9: memref<1x128xi32, #tpu.memory_space<vmem>>, %arg10: memref<128x128xf32, #tpu.memory_space<vmem>>, %arg11: memref<128x128xf32, #tpu.memory_space<vmem>>, %arg12: memref<10240x128xf32, #tpu.memory_space<vmem_shared>>, %arg13: memref<!tpu.dma_semaphore, #tpu.memory_space<semaphore_mem>>, %arg14: memref<!tpu.dma_semaphore, #tpu.memory_space<semaphore_mem>>, %arg15: memref<!tpu.dma_semaphore, #tpu.memory_space<semaphore_mem>>, %arg16: memref<!tpu.dma_semaphore, #tpu.memory_space<semaphore_mem>>, %arg17: memref<!tpu.dma_semaphore, #tpu.memory_space<semaphore_mem>>, %arg18: memref<!tpu.dma_semaphore, #tpu.memory_space<semaphore_mem>>) attributes {dimension_semantics = [#tpu.dimension_semantics<core_parallel>, #tpu.dimension_semantics<subcore_parallel>], iteration_bounds = array<i64: 2, 16>, scalar_prefetch = 0 : i64, scratch_operands = 12 : i64, tpu.core_type = #tpu.core_type<sc_vector_subcore>, window_params = [{transform_indices = #map}, {transform_indices = #map}, {transform_indices = #map}, {transform_indices = #map}, {transform_indices = #map}]} {
    %mul3A = arith.constant 16 : i32
    %mul3A_0 = arith.muli %arg0, %mul3A : i32
    %add3A = arith.addi %mul3A_0, %arg1 : i32
    %mul3A_1 = arith.constant 40 : i32
    %mul3A_2 = arith.muli %add3A, %mul3A_1 : i32
    "tpu.region"() ({
      %run_scoped3A = tpu.sem_alloc : memref<!tpu.dma_semaphore, #tpu.memory_space<semaphore_mem>>
      %dma_start3A_51 = arith.constant 0 : i32
      %dma_start3A_52 = tpu.memref_slice %arg3[%mul3A_2, %dma_start3A_51] : memref<1280x128xi32, #tpu.memory_space<hbm>> -> memref<40x128xi32, #tpu.memory_space<hbm>>
      %dma_start3A_53 = arith.constant 0 : i32
      %dma_start3A_54 = tpu.memref_slice %arg3[%mul3A_2, %dma_start3A_53] : memref<1280x128xi32, #tpu.memory_space<hbm>> -> memref<40x128xi32, #tpu.memory_space<hbm>>
      tpu.enqueue_dma source(%dma_start3A_54 : memref<40x128xi32, #tpu.memory_space<hbm>>) target(%arg7 : memref<40x128xi32, #tpu.memory_space<vmem>>) target_semaphore(%run_scoped3A : memref<!tpu.dma_semaphore, #tpu.memory_space<semaphore_mem>>)
      %dma_wait3A_55 = arith.constant 0 : i32
      %dma_wait3A_56 = tpu.memref_slice %arg3[%mul3A_2, %dma_wait3A_55] : memref<1280x128xi32, #tpu.memory_space<hbm>> -> memref<40x128xi32, #tpu.memory_space<hbm>>
      %dma_wait3A_57 = arith.constant 0 : i32
      %dma_wait3A_58 = tpu.memref_slice %arg3[%mul3A_2, %dma_wait3A_57] : memref<1280x128xi32, #tpu.memory_space<hbm>> -> memref<40x128xi32, #tpu.memory_space<hbm>>
      tpu.wait_dma2 semaphore(%run_scoped3A : memref<!tpu.dma_semaphore, #tpu.memory_space<semaphore_mem>>) src(%dma_wait3A_58 : memref<40x128xi32, #tpu.memory_space<hbm>>) dst(%arg7 : memref<40x128xi32, #tpu.memory_space<vmem>>)
      tpu.yield
    }) : () -> ()
    %mul3A_3 = arith.constant 640 : i32
    %mul3A_4 = arith.muli %arg1, %mul3A_3 : i32
    "tpu.region"() ({
      %run_scoped3A = tpu.sem_alloc : memref<!tpu.dma_semaphore, #tpu.memory_space<semaphore_mem>>
      %dma_start3A_51 = arith.constant 0 : i32
      %dma_start3A_52 = tpu.memref_slice %arg12[%mul3A_4, %dma_start3A_51] : memref<10240x128xf32, #tpu.memory_space<vmem_shared>> -> memref<640x128xf32, #tpu.memory_space<vmem_shared>>
      tpu.enqueue_dma source(%arg5 : memref<640x128xf32, #tpu.memory_space<hbm>>) target(%dma_start3A_52 : memref<640x128xf32, #tpu.memory_space<vmem_shared>>) target_semaphore(%run_scoped3A : memref<!tpu.dma_semaphore, #tpu.memory_space<semaphore_mem>>)
      %dma_wait3A_53 = arith.constant 0 : i32
      %dma_wait3A_54 = tpu.memref_slice %arg12[%mul3A_4, %dma_wait3A_53] : memref<10240x128xf32, #tpu.memory_space<vmem_shared>> -> memref<640x128xf32, #tpu.memory_space<vmem_shared>>
      tpu.wait_dma2 semaphore(%run_scoped3A : memref<!tpu.dma_semaphore, #tpu.memory_space<semaphore_mem>>) src(%arg5 : memref<640x128xf32, #tpu.memory_space<hbm>>) dst(%dma_wait3A_54 : memref<640x128xf32, #tpu.memory_space<vmem_shared>>)
      tpu.yield
    }) : () -> ()
    %barrier3A = arith.constant 0 : index
    tpu.barrier barrier_id(%barrier3A)
    %dma_start3A = arith.constant 0 : i32
    %dma_start3A_5 = arith.constant 0 : i32
    %dma_start3A_6 = tpu.memref_slice %arg7[%dma_start3A, %dma_start3A_5] : memref<40x128xi32, #tpu.memory_space<vmem>> -> memref<1x128xi32, #tpu.memory_space<vmem>>
    %dma_start3A_7 = tpu.memref_squeeze %dma_start3A_6 : memref<1x128xi32, #tpu.memory_space<vmem>> -> memref<128xi32, #tpu.memory_space<vmem>>
    %dma_start3A_8 = arith.constant 0 : i32
    %dma_start3A_9 = arith.constant 0 : i32
    %dma_start3A_10 = tpu.memref_slice %arg2[%dma_start3A_8, %dma_start3A_9] : memref<40000x128xf32, #tpu.memory_space<hbm>> -> memref<40000x128xf32, #tpu.memory_space<hbm>>
    tpu.enqueue_indirect_dma source(%dma_start3A_10 : memref<40000x128xf32, #tpu.memory_space<hbm>>) target(%arg10 : memref<128x128xf32, #tpu.memory_space<vmem>>) offsets(%dma_start3A_7 : memref<128xi32, #tpu.memory_space<vmem>>) semaphore(%arg13 : memref<!tpu.dma_semaphore, #tpu.memory_space<semaphore_mem>>)
    %dma_start3A_11 = arith.constant 0 : i32
    %dma_start3A_12 = tpu.memref_slice %arg4[%mul3A_2, %dma_start3A_11] : memref<1280x128xi32, #tpu.memory_space<hbm>> -> memref<1x128xi32, #tpu.memory_space<hbm>>
    %dma_start3A_13 = arith.constant 0 : i32
    %dma_start3A_14 = tpu.memref_slice %arg4[%mul3A_2, %dma_start3A_13] : memref<1280x128xi32, #tpu.memory_space<hbm>> -> memref<1x128xi32, #tpu.memory_space<hbm>>
    tpu.enqueue_dma source(%dma_start3A_14 : memref<1x128xi32, #tpu.memory_space<hbm>>) target(%arg8 : memref<1x128xi32, #tpu.memory_space<vmem>>) target_semaphore(%arg15 : memref<!tpu.dma_semaphore, #tpu.memory_space<semaphore_mem>>)
    %dma_start3A_15 = arith.constant 1 : i32
    %dma_start3A_16 = arith.constant 0 : i32
    %dma_start3A_17 = tpu.memref_slice %arg7[%dma_start3A_15, %dma_start3A_16] : memref<40x128xi32, #tpu.memory_space<vmem>> -> memref<1x128xi32, #tpu.memory_space<vmem>>
    %dma_start3A_18 = tpu.memref_squeeze %dma_start3A_17 : memref<1x128xi32, #tpu.memory_space<vmem>> -> memref<128xi32, #tpu.memory_space<vmem>>
    %dma_start3A_19 = arith.constant 0 : i32
    %dma_start3A_20 = arith.constant 0 : i32
    %dma_start3A_21 = tpu.memref_slice %arg2[%dma_start3A_19, %dma_start3A_20] : memref<40000x128xf32, #tpu.memory_space<hbm>> -> memref<40000x128xf32, #tpu.memory_space<hbm>>
    tpu.enqueue_indirect_dma source(%dma_start3A_21 : memref<40000x128xf32, #tpu.memory_space<hbm>>) target(%arg11 : memref<128x128xf32, #tpu.memory_space<vmem>>) offsets(%dma_start3A_18 : memref<128xi32, #tpu.memory_space<vmem>>) semaphore(%arg14 : memref<!tpu.dma_semaphore, #tpu.memory_space<semaphore_mem>>)
    %add3A_22 = arith.constant 1 : i32
    %add3A_23 = arith.addi %mul3A_2, %add3A_22 : i32
    %dma_start3A_24 = arith.constant 0 : i32
    %dma_start3A_25 = tpu.memref_slice %arg4[%add3A_23, %dma_start3A_24] : memref<1280x128xi32, #tpu.memory_space<hbm>> -> memref<1x128xi32, #tpu.memory_space<hbm>>
    %dma_start3A_26 = arith.constant 0 : i32
    %dma_start3A_27 = tpu.memref_slice %arg4[%add3A_23, %dma_start3A_26] : memref<1280x128xi32, #tpu.memory_space<hbm>> -> memref<1x128xi32, #tpu.memory_space<hbm>>
    tpu.enqueue_dma source(%dma_start3A_27 : memref<1x128xi32, #tpu.memory_space<hbm>>) target(%arg9 : memref<1x128xi32, #tpu.memory_space<vmem>>) target_semaphore(%arg16 : memref<!tpu.dma_semaphore, #tpu.memory_space<semaphore_mem>>)
    %scan3A = arith.constant 0 : i32
    %scan3A_28 = arith.constant 0 : i32
    %scan3A_29 = arith.constant 20 : i32
    %scan3A_30 = arith.addi %scan3A_28, %scan3A_29 : i32
    %scan3A_31 = arith.constant 1 : i32
    scf.for %scan3A_51 = %scan3A_28 to %scan3A_30 step %scan3A_31  : i32 {
      %mul3A_52 = arith.constant 2 : i32
      %mul3A_53 = arith.muli %mul3A_52, %scan3A_51 : i32
      %add3A_54 = arith.constant 1 : i32
      %add3A_55 = arith.addi %mul3A_53, %add3A_54 : i32
      %dma_wait3A_56 = arith.constant 0 : i32
      %dma_wait3A_57 = tpu.memref_slice %arg7[%mul3A_53, %dma_wait3A_56] : memref<40x128xi32, #tpu.memory_space<vmem>> -> memref<1x128xi32, #tpu.memory_space<vmem>>
      %dma_wait3A_58 = tpu.memref_squeeze %dma_wait3A_57 : memref<1x128xi32, #tpu.memory_space<vmem>> -> memref<128xi32, #tpu.memory_space<vmem>>
      %dma_wait3A_59 = arith.constant 0 : i32
      %dma_wait3A_60 = arith.constant 0 : i32
      %dma_wait3A_61 = tpu.memref_slice %arg2[%dma_wait3A_59, %dma_wait3A_60] : memref<40000x128xf32, #tpu.memory_space<hbm>> -> memref<40000x128xf32, #tpu.memory_space<hbm>>
      tpu.wait_indirect_dma semaphore(%arg13 : memref<!tpu.dma_semaphore, #tpu.memory_space<semaphore_mem>>) src(%dma_wait3A_61 : memref<40000x128xf32, #tpu.memory_space<hbm>>) dst(%arg10 : memref<128x128xf32, #tpu.memory_space<vmem>>)
      %add3A_62 = arith.addi %mul3A_2, %mul3A_53 : i32
      %dma_wait3A_63 = arith.constant 0 : i32
      %dma_wait3A_64 = tpu.memref_slice %arg4[%add3A_62, %dma_wait3A_63] : memref<1280x128xi32, #tpu.memory_space<hbm>> -> memref<1x128xi32, #tpu.memory_space<hbm>>
      %dma_wait3A_65 = arith.constant 0 : i32
      %dma_wait3A_66 = tpu.memref_slice %arg4[%add3A_62, %dma_wait3A_65] : memref<1280x128xi32, #tpu.memory_space<hbm>> -> memref<1x128xi32, #tpu.memory_space<hbm>>
      tpu.wait_dma2 semaphore(%arg15 : memref<!tpu.dma_semaphore, #tpu.memory_space<semaphore_mem>>) src(%dma_wait3A_66 : memref<1x128xi32, #tpu.memory_space<hbm>>) dst(%arg8 : memref<1x128xi32, #tpu.memory_space<vmem>>)
      %dma_start3A_67 = arith.constant 0 : i32
      %dma_start3A_68 = arith.constant 0 : i32
      %dma_start3A_69 = tpu.memref_slice %arg8[%dma_start3A_67, %dma_start3A_68] : memref<1x128xi32, #tpu.memory_space<vmem>> -> memref<1x128xi32, #tpu.memory_space<vmem>>
      %dma_start3A_70 = tpu.memref_squeeze %dma_start3A_69 : memref<1x128xi32, #tpu.memory_space<vmem>> -> memref<128xi32, #tpu.memory_space<vmem>>
      %dma_start3A_71 = arith.constant 0 : i32
      %dma_start3A_72 = arith.constant 0 : i32
      %dma_start3A_73 = tpu.memref_slice %arg12[%dma_start3A_71, %dma_start3A_72] : memref<10240x128xf32, #tpu.memory_space<vmem_shared>> -> memref<10240x128xf32, #tpu.memory_space<vmem_shared>>
      tpu.enqueue_indirect_dma source(%arg10 : memref<128x128xf32, #tpu.memory_space<vmem>>) target(%dma_start3A_73 : memref<10240x128xf32, #tpu.memory_space<vmem_shared>>) offsets(%dma_start3A_70 : memref<128xi32, #tpu.memory_space<vmem>>) semaphore(%arg17 : memref<!tpu.dma_semaphore, #tpu.memory_space<semaphore_mem>>) {add = true}
      %dma_wait3A_74 = arith.constant 0 : i32
      %dma_wait3A_75 = tpu.memref_slice %arg7[%add3A_55, %dma_wait3A_74] : memref<40x128xi32, #tpu.memory_space<vmem>> -> memref<1x128xi32, #tpu.memory_space<vmem>>
      %dma_wait3A_76 = tpu.memref_squeeze %dma_wait3A_75 : memref<1x128xi32, #tpu.memory_space<vmem>> -> memref<128xi32, #tpu.memory_space<vmem>>
      %dma_wait3A_77 = arith.constant 0 : i32
      %dma_wait3A_78 = arith.constant 0 : i32
      %dma_wait3A_79 = tpu.memref_slice %arg2[%dma_wait3A_77, %dma_wait3A_78] : memref<40000x128xf32, #tpu.memory_space<hbm>> -> memref<40000x128xf32, #tpu.memory_space<hbm>>
      tpu.wait_indirect_dma semaphore(%arg14 : memref<!tpu.dma_semaphore, #tpu.memory_space<semaphore_mem>>) src(%dma_wait3A_79 : memref<40000x128xf32, #tpu.memory_space<hbm>>) dst(%arg11 : memref<128x128xf32, #tpu.memory_space<vmem>>)
      %add3A_80 = arith.addi %mul3A_2, %add3A_55 : i32
      %dma_wait3A_81 = arith.constant 0 : i32
      %dma_wait3A_82 = tpu.memref_slice %arg4[%add3A_80, %dma_wait3A_81] : memref<1280x128xi32, #tpu.memory_space<hbm>> -> memref<1x128xi32, #tpu.memory_space<hbm>>
      %dma_wait3A_83 = arith.constant 0 : i32
      %dma_wait3A_84 = tpu.memref_slice %arg4[%add3A_80, %dma_wait3A_83] : memref<1280x128xi32, #tpu.memory_space<hbm>> -> memref<1x128xi32, #tpu.memory_space<hbm>>
      tpu.wait_dma2 semaphore(%arg16 : memref<!tpu.dma_semaphore, #tpu.memory_space<semaphore_mem>>) src(%dma_wait3A_84 : memref<1x128xi32, #tpu.memory_space<hbm>>) dst(%arg9 : memref<1x128xi32, #tpu.memory_space<vmem>>)
      %dma_start3A_85 = arith.constant 0 : i32
      %dma_start3A_86 = arith.constant 0 : i32
      %dma_start3A_87 = tpu.memref_slice %arg9[%dma_start3A_85, %dma_start3A_86] : memref<1x128xi32, #tpu.memory_space<vmem>> -> memref<1x128xi32, #tpu.memory_space<vmem>>
      %dma_start3A_88 = tpu.memref_squeeze %dma_start3A_87 : memref<1x128xi32, #tpu.memory_space<vmem>> -> memref<128xi32, #tpu.memory_space<vmem>>
      %dma_start3A_89 = arith.constant 0 : i32
      %dma_start3A_90 = arith.constant 0 : i32
      %dma_start3A_91 = tpu.memref_slice %arg12[%dma_start3A_89, %dma_start3A_90] : memref<10240x128xf32, #tpu.memory_space<vmem_shared>> -> memref<10240x128xf32, #tpu.memory_space<vmem_shared>>
      tpu.enqueue_indirect_dma source(%arg11 : memref<128x128xf32, #tpu.memory_space<vmem>>) target(%dma_start3A_91 : memref<10240x128xf32, #tpu.memory_space<vmem_shared>>) offsets(%dma_start3A_88 : memref<128xi32, #tpu.memory_space<vmem>>) semaphore(%arg18 : memref<!tpu.dma_semaphore, #tpu.memory_space<semaphore_mem>>) {add = true}
      %lt3A = arith.constant 19 : i32
      %lt3A_92 = arith.cmpi slt, %scan3A_51, %lt3A : i32
      %convert_element_type3A = arith.extui %lt3A_92 : i1 to i32
      %cond3A = arith.constant 0 : i32
      %cond3A_93 = arith.cmpi ne, %convert_element_type3A, %cond3A : i32
      scf.if %cond3A_93 {
        %dma_wait3A_94 = arith.constant 0 : i32
        %dma_wait3A_95 = arith.constant 0 : i32
        %dma_wait3A_96 = tpu.memref_slice %arg5[%dma_wait3A_94, %dma_wait3A_95] : memref<640x128xf32, #tpu.memory_space<hbm>> -> memref<128x128xf32, #tpu.memory_space<hbm>>
        %dma_wait3A_97 = arith.constant 0 : i32
        %dma_wait3A_98 = arith.constant 0 : i32
        %dma_wait3A_99 = tpu.memref_slice %arg5[%dma_wait3A_97, %dma_wait3A_98] : memref<640x128xf32, #tpu.memory_space<hbm>> -> memref<128x128xf32, #tpu.memory_space<hbm>>
        tpu.wait_dma2 semaphore(%arg17 : memref<!tpu.dma_semaphore, #tpu.memory_space<semaphore_mem>>) src(%dma_wait3A_99 : memref<128x128xf32, #tpu.memory_space<hbm>>) dst(%arg10 : memref<128x128xf32, #tpu.memory_space<vmem>>)
        %add3A_100 = arith.constant 2 : i32
        %add3A_101 = arith.addi %mul3A_53, %add3A_100 : i32
        %dma_start3A_102 = arith.constant 0 : i32
        %dma_start3A_103 = tpu.memref_slice %arg7[%add3A_101, %dma_start3A_102] : memref<40x128xi32, #tpu.memory_space<vmem>> -> memref<1x128xi32, #tpu.memory_space<vmem>>
        %dma_start3A_104 = tpu.memref_squeeze %dma_start3A_103 : memref<1x128xi32, #tpu.memory_space<vmem>> -> memref<128xi32, #tpu.memory_space<vmem>>
        %dma_start3A_105 = arith.constant 0 : i32
        %dma_start3A_106 = arith.constant 0 : i32
        %dma_start3A_107 = tpu.memref_slice %arg2[%dma_start3A_105, %dma_start3A_106] : memref<40000x128xf32, #tpu.memory_space<hbm>> -> memref<40000x128xf32, #tpu.memory_space<hbm>>
        tpu.enqueue_indirect_dma source(%dma_start3A_107 : memref<40000x128xf32, #tpu.memory_space<hbm>>) target(%arg10 : memref<128x128xf32, #tpu.memory_space<vmem>>) offsets(%dma_start3A_104 : memref<128xi32, #tpu.memory_space<vmem>>) semaphore(%arg13 : memref<!tpu.dma_semaphore, #tpu.memory_space<semaphore_mem>>)
        %add3A_108 = arith.addi %mul3A_2, %mul3A_53 : i32
        %add3A_109 = arith.constant 2 : i32
        %add3A_110 = arith.addi %add3A_108, %add3A_109 : i32
        %dma_start3A_111 = arith.constant 0 : i32
        %dma_start3A_112 = tpu.memref_slice %arg4[%add3A_110, %dma_start3A_111] : memref<1280x128xi32, #tpu.memory_space<hbm>> -> memref<1x128xi32, #tpu.memory_space<hbm>>
        %dma_start3A_113 = arith.constant 0 : i32
        %dma_start3A_114 = tpu.memref_slice %arg4[%add3A_110, %dma_start3A_113] : memref<1280x128xi32, #tpu.memory_space<hbm>> -> memref<1x128xi32, #tpu.memory_space<hbm>>
        tpu.enqueue_dma source(%dma_start3A_114 : memref<1x128xi32, #tpu.memory_space<hbm>>) target(%arg8 : memref<1x128xi32, #tpu.memory_space<vmem>>) target_semaphore(%arg15 : memref<!tpu.dma_semaphore, #tpu.memory_space<semaphore_mem>>)
        %dma_wait3A_115 = arith.constant 0 : i32
        %dma_wait3A_116 = arith.constant 0 : i32
        %dma_wait3A_117 = tpu.memref_slice %arg5[%dma_wait3A_115, %dma_wait3A_116] : memref<640x128xf32, #tpu.memory_space<hbm>> -> memref<128x128xf32, #tpu.memory_space<hbm>>
        %dma_wait3A_118 = arith.constant 0 : i32
        %dma_wait3A_119 = arith.constant 0 : i32
        %dma_wait3A_120 = tpu.memref_slice %arg5[%dma_wait3A_118, %dma_wait3A_119] : memref<640x128xf32, #tpu.memory_space<hbm>> -> memref<128x128xf32, #tpu.memory_space<hbm>>
        tpu.wait_dma2 semaphore(%arg18 : memref<!tpu.dma_semaphore, #tpu.memory_space<semaphore_mem>>) src(%dma_wait3A_120 : memref<128x128xf32, #tpu.memory_space<hbm>>) dst(%arg11 : memref<128x128xf32, #tpu.memory_space<vmem>>)
        %add3A_121 = arith.constant 2 : i32
        %add3A_122 = arith.addi %add3A_55, %add3A_121 : i32
        %dma_start3A_123 = arith.constant 0 : i32
        %dma_start3A_124 = tpu.memref_slice %arg7[%add3A_122, %dma_start3A_123] : memref<40x128xi32, #tpu.memory_space<vmem>> -> memref<1x128xi32, #tpu.memory_space<vmem>>
        %dma_start3A_125 = tpu.memref_squeeze %dma_start3A_124 : memref<1x128xi32, #tpu.memory_space<vmem>> -> memref<128xi32, #tpu.memory_space<vmem>>
        %dma_start3A_126 = arith.constant 0 : i32
        %dma_start3A_127 = arith.constant 0 : i32
        %dma_start3A_128 = tpu.memref_slice %arg2[%dma_start3A_126, %dma_start3A_127] : memref<40000x128xf32, #tpu.memory_space<hbm>> -> memref<40000x128xf32, #tpu.memory_space<hbm>>
        tpu.enqueue_indirect_dma source(%dma_start3A_128 : memref<40000x128xf32, #tpu.memory_space<hbm>>) target(%arg11 : memref<128x128xf32, #tpu.memory_space<vmem>>) offsets(%dma_start3A_125 : memref<128xi32, #tpu.memory_space<vmem>>) semaphore(%arg14 : memref<!tpu.dma_semaphore, #tpu.memory_space<semaphore_mem>>)
        %add3A_129 = arith.addi %mul3A_2, %add3A_55 : i32
        %add3A_130 = arith.constant 2 : i32
        %add3A_131 = arith.addi %add3A_129, %add3A_130 : i32
        %dma_start3A_132 = arith.constant 0 : i32
        %dma_start3A_133 = tpu.memref_slice %arg4[%add3A_131, %dma_start3A_132] : memref<1280x128xi32, #tpu.memory_space<hbm>> -> memref<1x128xi32, #tpu.memory_space<hbm>>
        %dma_start3A_134 = arith.constant 0 : i32
        %dma_start3A_135 = tpu.memref_slice %arg4[%add3A_131, %dma_start3A_134] : memref<1280x128xi32, #tpu.memory_space<hbm>> -> memref<1x128xi32, #tpu.memory_space<hbm>>
        tpu.enqueue_dma source(%dma_start3A_135 : memref<1x128xi32, #tpu.memory_space<hbm>>) target(%arg9 : memref<1x128xi32, #tpu.memory_space<vmem>>) target_semaphore(%arg16 : memref<!tpu.dma_semaphore, #tpu.memory_space<semaphore_mem>>)
      } else {
      }
    }
    %scan3A_32 = arith.constant 20 : i32
    %dma_wait3A = arith.constant 0 : i32
    %dma_wait3A_33 = arith.constant 0 : i32
    %dma_wait3A_34 = tpu.memref_slice %arg5[%dma_wait3A, %dma_wait3A_33] : memref<640x128xf32, #tpu.memory_space<hbm>> -> memref<128x128xf32, #tpu.memory_space<hbm>>
    %dma_wait3A_35 = arith.constant 0 : i32
    %dma_wait3A_36 = arith.constant 0 : i32
    %dma_wait3A_37 = tpu.memref_slice %arg5[%dma_wait3A_35, %dma_wait3A_36] : memref<640x128xf32, #tpu.memory_space<hbm>> -> memref<128x128xf32, #tpu.memory_space<hbm>>
    tpu.wait_dma2 semaphore(%arg17 : memref<!tpu.dma_semaphore, #tpu.memory_space<semaphore_mem>>) src(%dma_wait3A_37 : memref<128x128xf32, #tpu.memory_space<hbm>>) dst(%arg10 : memref<128x128xf32, #tpu.memory_space<vmem>>)
    %dma_wait3A_38 = arith.constant 0 : i32
    %dma_wait3A_39 = arith.constant 0 : i32
    %dma_wait3A_40 = tpu.memref_slice %arg5[%dma_wait3A_38, %dma_wait3A_39] : memref<640x128xf32, #tpu.memory_space<hbm>> -> memref<128x128xf32, #tpu.memory_space<hbm>>
    %dma_wait3A_41 = arith.constant 0 : i32
    %dma_wait3A_42 = arith.constant 0 : i32
    %dma_wait3A_43 = tpu.memref_slice %arg5[%dma_wait3A_41, %dma_wait3A_42] : memref<640x128xf32, #tpu.memory_space<hbm>> -> memref<128x128xf32, #tpu.memory_space<hbm>>
    tpu.wait_dma2 semaphore(%arg18 : memref<!tpu.dma_semaphore, #tpu.memory_space<semaphore_mem>>) src(%dma_wait3A_43 : memref<128x128xf32, #tpu.memory_space<hbm>>) dst(%arg11 : memref<128x128xf32, #tpu.memory_space<vmem>>)
    %barrier3A_44 = arith.constant 0 : index
    tpu.barrier barrier_id(%barrier3A_44)
    %scan3A_45 = arith.constant 0 : i32
    %scan3A_46 = arith.constant 0 : i32
    %scan3A_47 = arith.constant 5 : i32
    %scan3A_48 = arith.addi %scan3A_46, %scan3A_47 : i32
    %scan3A_49 = arith.constant 1 : i32
    scf.for %scan3A_51 = %scan3A_46 to %scan3A_48 step %scan3A_49  : i32 {
      %mul3A_52 = arith.constant 640 : i32
      %mul3A_53 = arith.muli %arg1, %mul3A_52 : i32
      %mul3A_54 = arith.constant 128 : i32
      %mul3A_55 = arith.muli %scan3A_51, %mul3A_54 : i32
      %add3A_56 = arith.addi %mul3A_53, %mul3A_55 : i32
      "tpu.region"() ({
        %run_scoped3A = tpu.sem_alloc : memref<!tpu.dma_semaphore, #tpu.memory_space<semaphore_mem>>
        %dma_start3A_60 = arith.constant 0 : i32
        %dma_start3A_61 = tpu.memref_slice %arg12[%add3A_56, %dma_start3A_60] : memref<10240x128xf32, #tpu.memory_space<vmem_shared>> -> memref<128x128xf32, #tpu.memory_space<vmem_shared>>
        %dma_start3A_62 = arith.constant 0 : i32
        %dma_start3A_63 = tpu.memref_slice %arg12[%add3A_56, %dma_start3A_62] : memref<10240x128xf32, #tpu.memory_space<vmem_shared>> -> memref<128x128xf32, #tpu.memory_space<vmem_shared>>
        tpu.enqueue_dma source(%dma_start3A_63 : memref<128x128xf32, #tpu.memory_space<vmem_shared>>) target(%arg10 : memref<128x128xf32, #tpu.memory_space<vmem>>) target_semaphore(%run_scoped3A : memref<!tpu.dma_semaphore, #tpu.memory_space<semaphore_mem>>)
        %dma_wait3A_64 = arith.constant 0 : i32
        %dma_wait3A_65 = tpu.memref_slice %arg12[%add3A_56, %dma_wait3A_64] : memref<10240x128xf32, #tpu.memory_space<vmem_shared>> -> memref<128x128xf32, #tpu.memory_space<vmem_shared>>
        %dma_wait3A_66 = arith.constant 0 : i32
        %dma_wait3A_67 = tpu.memref_slice %arg12[%add3A_56, %dma_wait3A_66] : memref<10240x128xf32, #tpu.memory_space<vmem_shared>> -> memref<128x128xf32, #tpu.memory_space<vmem_shared>>
        tpu.wait_dma2 semaphore(%run_scoped3A : memref<!tpu.dma_semaphore, #tpu.memory_space<semaphore_mem>>) src(%dma_wait3A_67 : memref<128x128xf32, #tpu.memory_space<vmem_shared>>) dst(%arg10 : memref<128x128xf32, #tpu.memory_space<vmem>>)
        tpu.yield
      }) : () -> ()
      %mul3A_57 = arith.constant 10240 : i32
      %mul3A_58 = arith.muli %arg0, %mul3A_57 : i32
      %add3A_59 = arith.addi %mul3A_58, %add3A_56 : i32
      "tpu.region"() ({
        %run_scoped3A = tpu.sem_alloc : memref<!tpu.dma_semaphore, #tpu.memory_space<semaphore_mem>>
        %dma_start3A_60 = arith.constant 0 : i32
        %dma_start3A_61 = tpu.memref_slice %arg6[%add3A_59, %dma_start3A_60] : memref<20480x128xf32, #tpu.memory_space<hbm>> -> memref<128x128xf32, #tpu.memory_space<hbm>>
        %dma_start3A_62 = arith.constant 0 : i32
        %dma_start3A_63 = tpu.memref_slice %arg6[%add3A_59, %dma_start3A_62] : memref<20480x128xf32, #tpu.memory_space<hbm>> -> memref<128x128xf32, #tpu.memory_space<hbm>>
        tpu.enqueue_dma source(%arg10 : memref<128x128xf32, #tpu.memory_space<vmem>>) target(%dma_start3A_63 : memref<128x128xf32, #tpu.memory_space<hbm>>) target_semaphore(%run_scoped3A : memref<!tpu.dma_semaphore, #tpu.memory_space<semaphore_mem>>)
        %dma_wait3A_64 = arith.constant 0 : i32
        %dma_wait3A_65 = tpu.memref_slice %arg6[%add3A_59, %dma_wait3A_64] : memref<20480x128xf32, #tpu.memory_space<hbm>> -> memref<128x128xf32, #tpu.memory_space<hbm>>
        %dma_wait3A_66 = arith.constant 0 : i32
        %dma_wait3A_67 = tpu.memref_slice %arg6[%add3A_59, %dma_wait3A_66] : memref<20480x128xf32, #tpu.memory_space<hbm>> -> memref<128x128xf32, #tpu.memory_space<hbm>>
        tpu.wait_dma2 semaphore(%run_scoped3A : memref<!tpu.dma_semaphore, #tpu.memory_space<semaphore_mem>>) src(%arg10 : memref<128x128xf32, #tpu.memory_space<vmem>>) dst(%dma_wait3A_67 : memref<128x128xf32, #tpu.memory_space<hbm>>)
        tpu.yield
      }) : () -> ()
    }
    %scan3A_50 = arith.constant 5 : i32
    return
  }
}

#map = affine_map<(d0, d1) -> (0, 0)>
module attributes {stable_mosaic.version = 14 : i64} {
  func.func @_sc_body(%arg0: i32, %arg1: i32, %arg2: memref<40000x128xf32, #tpu.memory_space<hbm>>, %arg3: memref<1280x128xi32, #tpu.memory_space<hbm>>, %arg4: memref<1280x128xi32, #tpu.memory_space<hbm>>, %arg5: memref<640x128xf32, #tpu.memory_space<hbm>>, %arg6: memref<20480x128xf32, #tpu.memory_space<hbm>>, %arg7: memref<40x128xi32, #tpu.memory_space<vmem>>, %arg8: memref<1x128xi32, #tpu.memory_space<vmem>>, %arg9: memref<1x128xi32, #tpu.memory_space<vmem>>, %arg10: memref<128x128xf32, #tpu.memory_space<vmem>>, %arg11: memref<128x128xf32, #tpu.memory_space<vmem>>, %arg12: memref<10240x128xf32, #tpu.memory_space<vmem_shared>>, %arg13: memref<!tpu.dma_semaphore, #tpu.memory_space<semaphore_mem>>, %arg14: memref<!tpu.dma_semaphore, #tpu.memory_space<semaphore_mem>>, %arg15: memref<!tpu.dma_semaphore, #tpu.memory_space<semaphore_mem>>, %arg16: memref<!tpu.dma_semaphore, #tpu.memory_space<semaphore_mem>>, %arg17: memref<!tpu.dma_semaphore, #tpu.memory_space<semaphore_mem>>, %arg18: memref<!tpu.dma_semaphore, #tpu.memory_space<semaphore_mem>>) attributes {dimension_semantics = [#tpu.dimension_semantics<core_parallel>, #tpu.dimension_semantics<subcore_parallel>], iteration_bounds = array<i64: 2, 16>, scalar_prefetch = 0 : i64, scratch_operands = 12 : i64, tpu.core_type = #tpu.core_type<sc_vector_subcore>, window_params = [{transform_indices = #map}, {transform_indices = #map}, {transform_indices = #map}, {transform_indices = #map}, {transform_indices = #map}]} {
    %mul3A = arith.constant 16 : i32
    %mul3A_0 = arith.muli %arg0, %mul3A : i32
    %add3A = arith.addi %mul3A_0, %arg1 : i32
    %mul3A_1 = arith.constant 40 : i32
    %mul3A_2 = arith.muli %add3A, %mul3A_1 : i32
    "tpu.region"() ({
      %run_scoped3A = tpu.sem_alloc : memref<!tpu.dma_semaphore, #tpu.memory_space<semaphore_mem>>
      %dma_start3A_51 = arith.constant 0 : i32
      %dma_start3A_52 = tpu.memref_slice %arg3[%mul3A_2, %dma_start3A_51] : memref<1280x128xi32, #tpu.memory_space<hbm>> -> memref<40x128xi32, #tpu.memory_space<hbm>>
      %dma_start3A_53 = arith.constant 0 : i32
      %dma_start3A_54 = tpu.memref_slice %arg3[%mul3A_2, %dma_start3A_53] : memref<1280x128xi32, #tpu.memory_space<hbm>> -> memref<40x128xi32, #tpu.memory_space<hbm>>
      tpu.enqueue_dma source(%dma_start3A_54 : memref<40x128xi32, #tpu.memory_space<hbm>>) target(%arg7 : memref<40x128xi32, #tpu.memory_space<vmem>>) target_semaphore(%run_scoped3A : memref<!tpu.dma_semaphore, #tpu.memory_space<semaphore_mem>>)
      %dma_wait3A_55 = arith.constant 0 : i32
      %dma_wait3A_56 = tpu.memref_slice %arg3[%mul3A_2, %dma_wait3A_55] : memref<1280x128xi32, #tpu.memory_space<hbm>> -> memref<40x128xi32, #tpu.memory_space<hbm>>
      %dma_wait3A_57 = arith.constant 0 : i32
      %dma_wait3A_58 = tpu.memref_slice %arg3[%mul3A_2, %dma_wait3A_57] : memref<1280x128xi32, #tpu.memory_space<hbm>> -> memref<40x128xi32, #tpu.memory_space<hbm>>
      tpu.wait_dma2 semaphore(%run_scoped3A : memref<!tpu.dma_semaphore, #tpu.memory_space<semaphore_mem>>) src(%dma_wait3A_58 : memref<40x128xi32, #tpu.memory_space<hbm>>) dst(%arg7 : memref<40x128xi32, #tpu.memory_space<vmem>>)
      tpu.yield
    }) : () -> ()
    %mul3A_3 = arith.constant 640 : i32
    %mul3A_4 = arith.muli %arg1, %mul3A_3 : i32
    "tpu.region"() ({
      %run_scoped3A = tpu.sem_alloc : memref<!tpu.dma_semaphore, #tpu.memory_space<semaphore_mem>>
      %dma_start3A_51 = arith.constant 0 : i32
      %dma_start3A_52 = tpu.memref_slice %arg12[%mul3A_4, %dma_start3A_51] : memref<10240x128xf32, #tpu.memory_space<vmem_shared>> -> memref<640x128xf32, #tpu.memory_space<vmem_shared>>
      tpu.enqueue_dma source(%arg5 : memref<640x128xf32, #tpu.memory_space<hbm>>) target(%dma_start3A_52 : memref<640x128xf32, #tpu.memory_space<vmem_shared>>) target_semaphore(%run_scoped3A : memref<!tpu.dma_semaphore, #tpu.memory_space<semaphore_mem>>)
      %dma_wait3A_53 = arith.constant 0 : i32
      %dma_wait3A_54 = tpu.memref_slice %arg12[%mul3A_4, %dma_wait3A_53] : memref<10240x128xf32, #tpu.memory_space<vmem_shared>> -> memref<640x128xf32, #tpu.memory_space<vmem_shared>>
      tpu.wait_dma2 semaphore(%run_scoped3A : memref<!tpu.dma_semaphore, #tpu.memory_space<semaphore_mem>>) src(%arg5 : memref<640x128xf32, #tpu.memory_space<hbm>>) dst(%dma_wait3A_54 : memref<640x128xf32, #tpu.memory_space<vmem_shared>>)
      tpu.yield
    }) : () -> ()
    %barrier3A = arith.constant 0 : index
    tpu.barrier barrier_id(%barrier3A)
    %dma_start3A = arith.constant 0 : i32
    %dma_start3A_5 = arith.constant 0 : i32
    %dma_start3A_6 = tpu.memref_slice %arg7[%dma_start3A, %dma_start3A_5] : memref<40x128xi32, #tpu.memory_space<vmem>> -> memref<1x128xi32, #tpu.memory_space<vmem>>
    %dma_start3A_7 = tpu.memref_squeeze %dma_start3A_6 : memref<1x128xi32, #tpu.memory_space<vmem>> -> memref<128xi32, #tpu.memory_space<vmem>>
    %dma_start3A_8 = arith.constant 0 : i32
    %dma_start3A_9 = arith.constant 0 : i32
    %dma_start3A_10 = tpu.memref_slice %arg2[%dma_start3A_8, %dma_start3A_9] : memref<40000x128xf32, #tpu.memory_space<hbm>> -> memref<40000x128xf32, #tpu.memory_space<hbm>>
    tpu.enqueue_indirect_dma source(%dma_start3A_10 : memref<40000x128xf32, #tpu.memory_space<hbm>>) target(%arg10 : memref<128x128xf32, #tpu.memory_space<vmem>>) offsets(%dma_start3A_7 : memref<128xi32, #tpu.memory_space<vmem>>) semaphore(%arg13 : memref<!tpu.dma_semaphore, #tpu.memory_space<semaphore_mem>>)
    %dma_start3A_11 = arith.constant 0 : i32
    %dma_start3A_12 = tpu.memref_slice %arg4[%mul3A_2, %dma_start3A_11] : memref<1280x128xi32, #tpu.memory_space<hbm>> -> memref<1x128xi32, #tpu.memory_space<hbm>>
    %dma_start3A_13 = arith.constant 0 : i32
    %dma_start3A_14 = tpu.memref_slice %arg4[%mul3A_2, %dma_start3A_13] : memref<1280x128xi32, #tpu.memory_space<hbm>> -> memref<1x128xi32, #tpu.memory_space<hbm>>
    tpu.enqueue_dma source(%dma_start3A_14 : memref<1x128xi32, #tpu.memory_space<hbm>>) target(%arg8 : memref<1x128xi32, #tpu.memory_space<vmem>>) target_semaphore(%arg15 : memref<!tpu.dma_semaphore, #tpu.memory_space<semaphore_mem>>)
    %dma_start3A_15 = arith.constant 1 : i32
    %dma_start3A_16 = arith.constant 0 : i32
    %dma_start3A_17 = tpu.memref_slice %arg7[%dma_start3A_15, %dma_start3A_16] : memref<40x128xi32, #tpu.memory_space<vmem>> -> memref<1x128xi32, #tpu.memory_space<vmem>>
    %dma_start3A_18 = tpu.memref_squeeze %dma_start3A_17 : memref<1x128xi32, #tpu.memory_space<vmem>> -> memref<128xi32, #tpu.memory_space<vmem>>
    %dma_start3A_19 = arith.constant 0 : i32
    %dma_start3A_20 = arith.constant 0 : i32
    %dma_start3A_21 = tpu.memref_slice %arg2[%dma_start3A_19, %dma_start3A_20] : memref<40000x128xf32, #tpu.memory_space<hbm>> -> memref<40000x128xf32, #tpu.memory_space<hbm>>
    tpu.enqueue_indirect_dma source(%dma_start3A_21 : memref<40000x128xf32, #tpu.memory_space<hbm>>) target(%arg11 : memref<128x128xf32, #tpu.memory_space<vmem>>) offsets(%dma_start3A_18 : memref<128xi32, #tpu.memory_space<vmem>>) semaphore(%arg14 : memref<!tpu.dma_semaphore, #tpu.memory_space<semaphore_mem>>)
    %add3A_22 = arith.constant 1 : i32
    %add3A_23 = arith.addi %mul3A_2, %add3A_22 : i32
    %dma_start3A_24 = arith.constant 0 : i32
    %dma_start3A_25 = tpu.memref_slice %arg4[%add3A_23, %dma_start3A_24] : memref<1280x128xi32, #tpu.memory_space<hbm>> -> memref<1x128xi32, #tpu.memory_space<hbm>>
    %dma_start3A_26 = arith.constant 0 : i32
    %dma_start3A_27 = tpu.memref_slice %arg4[%add3A_23, %dma_start3A_26] : memref<1280x128xi32, #tpu.memory_space<hbm>> -> memref<1x128xi32, #tpu.memory_space<hbm>>
    tpu.enqueue_dma source(%dma_start3A_27 : memref<1x128xi32, #tpu.memory_space<hbm>>) target(%arg9 : memref<1x128xi32, #tpu.memory_space<vmem>>) target_semaphore(%arg16 : memref<!tpu.dma_semaphore, #tpu.memory_space<semaphore_mem>>)
    %scan3A = arith.constant 0 : i32
    %scan3A_28 = arith.constant 0 : i32
    %scan3A_29 = arith.constant 20 : i32
    %scan3A_30 = arith.addi %scan3A_28, %scan3A_29 : i32
    %scan3A_31 = arith.constant 1 : i32
    scf.for %scan3A_51 = %scan3A_28 to %scan3A_30 step %scan3A_31  : i32 {
      %mul3A_52 = arith.constant 2 : i32
      %mul3A_53 = arith.muli %mul3A_52, %scan3A_51 : i32
      %add3A_54 = arith.constant 1 : i32
      %add3A_55 = arith.addi %mul3A_53, %add3A_54 : i32
      %dma_wait3A_56 = arith.constant 0 : i32
      %dma_wait3A_57 = tpu.memref_slice %arg7[%mul3A_53, %dma_wait3A_56] : memref<40x128xi32, #tpu.memory_space<vmem>> -> memref<1x128xi32, #tpu.memory_space<vmem>>
      %dma_wait3A_58 = tpu.memref_squeeze %dma_wait3A_57 : memref<1x128xi32, #tpu.memory_space<vmem>> -> memref<128xi32, #tpu.memory_space<vmem>>
      %dma_wait3A_59 = arith.constant 0 : i32
      %dma_wait3A_60 = arith.constant 0 : i32
      %dma_wait3A_61 = tpu.memref_slice %arg2[%dma_wait3A_59, %dma_wait3A_60] : memref<40000x128xf32, #tpu.memory_space<hbm>> -> memref<40000x128xf32, #tpu.memory_space<hbm>>
      tpu.wait_indirect_dma semaphore(%arg13 : memref<!tpu.dma_semaphore, #tpu.memory_space<semaphore_mem>>) src(%dma_wait3A_61 : memref<40000x128xf32, #tpu.memory_space<hbm>>) dst(%arg10 : memref<128x128xf32, #tpu.memory_space<vmem>>)
      %add3A_62 = arith.addi %mul3A_2, %mul3A_53 : i32
      %dma_wait3A_63 = arith.constant 0 : i32
      %dma_wait3A_64 = tpu.memref_slice %arg4[%add3A_62, %dma_wait3A_63] : memref<1280x128xi32, #tpu.memory_space<hbm>> -> memref<1x128xi32, #tpu.memory_space<hbm>>
      %dma_wait3A_65 = arith.constant 0 : i32
      %dma_wait3A_66 = tpu.memref_slice %arg4[%add3A_62, %dma_wait3A_65] : memref<1280x128xi32, #tpu.memory_space<hbm>> -> memref<1x128xi32, #tpu.memory_space<hbm>>
      tpu.wait_dma2 semaphore(%arg15 : memref<!tpu.dma_semaphore, #tpu.memory_space<semaphore_mem>>) src(%dma_wait3A_66 : memref<1x128xi32, #tpu.memory_space<hbm>>) dst(%arg8 : memref<1x128xi32, #tpu.memory_space<vmem>>)
      %dma_start3A_67 = arith.constant 0 : i32
      %dma_start3A_68 = arith.constant 0 : i32
      %dma_start3A_69 = tpu.memref_slice %arg8[%dma_start3A_67, %dma_start3A_68] : memref<1x128xi32, #tpu.memory_space<vmem>> -> memref<1x128xi32, #tpu.memory_space<vmem>>
      %dma_start3A_70 = tpu.memref_squeeze %dma_start3A_69 : memref<1x128xi32, #tpu.memory_space<vmem>> -> memref<128xi32, #tpu.memory_space<vmem>>
      %dma_start3A_71 = arith.constant 0 : i32
      %dma_start3A_72 = arith.constant 0 : i32
      %dma_start3A_73 = tpu.memref_slice %arg12[%dma_start3A_71, %dma_start3A_72] : memref<10240x128xf32, #tpu.memory_space<vmem_shared>> -> memref<10240x128xf32, #tpu.memory_space<vmem_shared>>
      tpu.enqueue_indirect_dma source(%arg10 : memref<128x128xf32, #tpu.memory_space<vmem>>) target(%dma_start3A_73 : memref<10240x128xf32, #tpu.memory_space<vmem_shared>>) offsets(%dma_start3A_70 : memref<128xi32, #tpu.memory_space<vmem>>) semaphore(%arg17 : memref<!tpu.dma_semaphore, #tpu.memory_space<semaphore_mem>>) {add = true}
      %dma_wait3A_74 = arith.constant 0 : i32
      %dma_wait3A_75 = tpu.memref_slice %arg7[%add3A_55, %dma_wait3A_74] : memref<40x128xi32, #tpu.memory_space<vmem>> -> memref<1x128xi32, #tpu.memory_space<vmem>>
      %dma_wait3A_76 = tpu.memref_squeeze %dma_wait3A_75 : memref<1x128xi32, #tpu.memory_space<vmem>> -> memref<128xi32, #tpu.memory_space<vmem>>
      %dma_wait3A_77 = arith.constant 0 : i32
      %dma_wait3A_78 = arith.constant 0 : i32
      %dma_wait3A_79 = tpu.memref_slice %arg2[%dma_wait3A_77, %dma_wait3A_78] : memref<40000x128xf32, #tpu.memory_space<hbm>> -> memref<40000x128xf32, #tpu.memory_space<hbm>>
      tpu.wait_indirect_dma semaphore(%arg14 : memref<!tpu.dma_semaphore, #tpu.memory_space<semaphore_mem>>) src(%dma_wait3A_79 : memref<40000x128xf32, #tpu.memory_space<hbm>>) dst(%arg11 : memref<128x128xf32, #tpu.memory_space<vmem>>)
      %add3A_80 = arith.addi %mul3A_2, %add3A_55 : i32
      %dma_wait3A_81 = arith.constant 0 : i32
      %dma_wait3A_82 = tpu.memref_slice %arg4[%add3A_80, %dma_wait3A_81] : memref<1280x128xi32, #tpu.memory_space<hbm>> -> memref<1x128xi32, #tpu.memory_space<hbm>>
      %dma_wait3A_83 = arith.constant 0 : i32
      %dma_wait3A_84 = tpu.memref_slice %arg4[%add3A_80, %dma_wait3A_83] : memref<1280x128xi32, #tpu.memory_space<hbm>> -> memref<1x128xi32, #tpu.memory_space<hbm>>
      tpu.wait_dma2 semaphore(%arg16 : memref<!tpu.dma_semaphore, #tpu.memory_space<semaphore_mem>>) src(%dma_wait3A_84 : memref<1x128xi32, #tpu.memory_space<hbm>>) dst(%arg9 : memref<1x128xi32, #tpu.memory_space<vmem>>)
      %dma_start3A_85 = arith.constant 0 : i32
      %dma_start3A_86 = arith.constant 0 : i32
      %dma_start3A_87 = tpu.memref_slice %arg9[%dma_start3A_85, %dma_start3A_86] : memref<1x128xi32, #tpu.memory_space<vmem>> -> memref<1x128xi32, #tpu.memory_space<vmem>>
      %dma_start3A_88 = tpu.memref_squeeze %dma_start3A_87 : memref<1x128xi32, #tpu.memory_space<vmem>> -> memref<128xi32, #tpu.memory_space<vmem>>
      %dma_start3A_89 = arith.constant 0 : i32
      %dma_start3A_90 = arith.constant 0 : i32
      %dma_start3A_91 = tpu.memref_slice %arg12[%dma_start3A_89, %dma_start3A_90] : memref<10240x128xf32, #tpu.memory_space<vmem_shared>> -> memref<10240x128xf32, #tpu.memory_space<vmem_shared>>
      tpu.enqueue_indirect_dma source(%arg11 : memref<128x128xf32, #tpu.memory_space<vmem>>) target(%dma_start3A_91 : memref<10240x128xf32, #tpu.memory_space<vmem_shared>>) offsets(%dma_start3A_88 : memref<128xi32, #tpu.memory_space<vmem>>) semaphore(%arg18 : memref<!tpu.dma_semaphore, #tpu.memory_space<semaphore_mem>>) {add = true}
      %lt3A = arith.constant 19 : i32
      %lt3A_92 = arith.cmpi slt, %scan3A_51, %lt3A : i32
      %convert_element_type3A = arith.extui %lt3A_92 : i1 to i32
      %cond3A = arith.constant 0 : i32
      %cond3A_93 = arith.cmpi ne, %convert_element_type3A, %cond3A : i32
      scf.if %cond3A_93 {
        %dma_wait3A_94 = arith.constant 0 : i32
        %dma_wait3A_95 = arith.constant 0 : i32
        %dma_wait3A_96 = tpu.memref_slice %arg5[%dma_wait3A_94, %dma_wait3A_95] : memref<640x128xf32, #tpu.memory_space<hbm>> -> memref<128x128xf32, #tpu.memory_space<hbm>>
        %dma_wait3A_97 = arith.constant 0 : i32
        %dma_wait3A_98 = arith.constant 0 : i32
        %dma_wait3A_99 = tpu.memref_slice %arg5[%dma_wait3A_97, %dma_wait3A_98] : memref<640x128xf32, #tpu.memory_space<hbm>> -> memref<128x128xf32, #tpu.memory_space<hbm>>
        tpu.wait_dma2 semaphore(%arg17 : memref<!tpu.dma_semaphore, #tpu.memory_space<semaphore_mem>>) src(%dma_wait3A_99 : memref<128x128xf32, #tpu.memory_space<hbm>>) dst(%arg10 : memref<128x128xf32, #tpu.memory_space<vmem>>)
        %add3A_100 = arith.constant 2 : i32
        %add3A_101 = arith.addi %mul3A_53, %add3A_100 : i32
        %dma_start3A_102 = arith.constant 0 : i32
        %dma_start3A_103 = tpu.memref_slice %arg7[%add3A_101, %dma_start3A_102] : memref<40x128xi32, #tpu.memory_space<vmem>> -> memref<1x128xi32, #tpu.memory_space<vmem>>
        %dma_start3A_104 = tpu.memref_squeeze %dma_start3A_103 : memref<1x128xi32, #tpu.memory_space<vmem>> -> memref<128xi32, #tpu.memory_space<vmem>>
        %dma_start3A_105 = arith.constant 0 : i32
        %dma_start3A_106 = arith.constant 0 : i32
        %dma_start3A_107 = tpu.memref_slice %arg2[%dma_start3A_105, %dma_start3A_106] : memref<40000x128xf32, #tpu.memory_space<hbm>> -> memref<40000x128xf32, #tpu.memory_space<hbm>>
        tpu.enqueue_indirect_dma source(%dma_start3A_107 : memref<40000x128xf32, #tpu.memory_space<hbm>>) target(%arg10 : memref<128x128xf32, #tpu.memory_space<vmem>>) offsets(%dma_start3A_104 : memref<128xi32, #tpu.memory_space<vmem>>) semaphore(%arg13 : memref<!tpu.dma_semaphore, #tpu.memory_space<semaphore_mem>>)
        %add3A_108 = arith.addi %mul3A_2, %mul3A_53 : i32
        %add3A_109 = arith.constant 2 : i32
        %add3A_110 = arith.addi %add3A_108, %add3A_109 : i32
        %dma_start3A_111 = arith.constant 0 : i32
        %dma_start3A_112 = tpu.memref_slice %arg4[%add3A_110, %dma_start3A_111] : memref<1280x128xi32, #tpu.memory_space<hbm>> -> memref<1x128xi32, #tpu.memory_space<hbm>>
        %dma_start3A_113 = arith.constant 0 : i32
        %dma_start3A_114 = tpu.memref_slice %arg4[%add3A_110, %dma_start3A_113] : memref<1280x128xi32, #tpu.memory_space<hbm>> -> memref<1x128xi32, #tpu.memory_space<hbm>>
        tpu.enqueue_dma source(%dma_start3A_114 : memref<1x128xi32, #tpu.memory_space<hbm>>) target(%arg8 : memref<1x128xi32, #tpu.memory_space<vmem>>) target_semaphore(%arg15 : memref<!tpu.dma_semaphore, #tpu.memory_space<semaphore_mem>>)
        %dma_wait3A_115 = arith.constant 0 : i32
        %dma_wait3A_116 = arith.constant 0 : i32
        %dma_wait3A_117 = tpu.memref_slice %arg5[%dma_wait3A_115, %dma_wait3A_116] : memref<640x128xf32, #tpu.memory_space<hbm>> -> memref<128x128xf32, #tpu.memory_space<hbm>>
        %dma_wait3A_118 = arith.constant 0 : i32
        %dma_wait3A_119 = arith.constant 0 : i32
        %dma_wait3A_120 = tpu.memref_slice %arg5[%dma_wait3A_118, %dma_wait3A_119] : memref<640x128xf32, #tpu.memory_space<hbm>> -> memref<128x128xf32, #tpu.memory_space<hbm>>
        tpu.wait_dma2 semaphore(%arg18 : memref<!tpu.dma_semaphore, #tpu.memory_space<semaphore_mem>>) src(%dma_wait3A_120 : memref<128x128xf32, #tpu.memory_space<hbm>>) dst(%arg11 : memref<128x128xf32, #tpu.memory_space<vmem>>)
        %add3A_121 = arith.constant 2 : i32
        %add3A_122 = arith.addi %add3A_55, %add3A_121 : i32
        %dma_start3A_123 = arith.constant 0 : i32
        %dma_start3A_124 = tpu.memref_slice %arg7[%add3A_122, %dma_start3A_123] : memref<40x128xi32, #tpu.memory_space<vmem>> -> memref<1x128xi32, #tpu.memory_space<vmem>>
        %dma_start3A_125 = tpu.memref_squeeze %dma_start3A_124 : memref<1x128xi32, #tpu.memory_space<vmem>> -> memref<128xi32, #tpu.memory_space<vmem>>
        %dma_start3A_126 = arith.constant 0 : i32
        %dma_start3A_127 = arith.constant 0 : i32
        %dma_start3A_128 = tpu.memref_slice %arg2[%dma_start3A_126, %dma_start3A_127] : memref<40000x128xf32, #tpu.memory_space<hbm>> -> memref<40000x128xf32, #tpu.memory_space<hbm>>
        tpu.enqueue_indirect_dma source(%dma_start3A_128 : memref<40000x128xf32, #tpu.memory_space<hbm>>) target(%arg11 : memref<128x128xf32, #tpu.memory_space<vmem>>) offsets(%dma_start3A_125 : memref<128xi32, #tpu.memory_space<vmem>>) semaphore(%arg14 : memref<!tpu.dma_semaphore, #tpu.memory_space<semaphore_mem>>)
        %add3A_129 = arith.addi %mul3A_2, %add3A_55 : i32
        %add3A_130 = arith.constant 2 : i32
        %add3A_131 = arith.addi %add3A_129, %add3A_130 : i32
        %dma_start3A_132 = arith.constant 0 : i32
        %dma_start3A_133 = tpu.memref_slice %arg4[%add3A_131, %dma_start3A_132] : memref<1280x128xi32, #tpu.memory_space<hbm>> -> memref<1x128xi32, #tpu.memory_space<hbm>>
        %dma_start3A_134 = arith.constant 0 : i32
        %dma_start3A_135 = tpu.memref_slice %arg4[%add3A_131, %dma_start3A_134] : memref<1280x128xi32, #tpu.memory_space<hbm>> -> memref<1x128xi32, #tpu.memory_space<hbm>>
        tpu.enqueue_dma source(%dma_start3A_135 : memref<1x128xi32, #tpu.memory_space<hbm>>) target(%arg9 : memref<1x128xi32, #tpu.memory_space<vmem>>) target_semaphore(%arg16 : memref<!tpu.dma_semaphore, #tpu.memory_space<semaphore_mem>>)
      } else {
      }
    }
    %scan3A_32 = arith.constant 20 : i32
    %dma_wait3A = arith.constant 0 : i32
    %dma_wait3A_33 = arith.constant 0 : i32
    %dma_wait3A_34 = tpu.memref_slice %arg5[%dma_wait3A, %dma_wait3A_33] : memref<640x128xf32, #tpu.memory_space<hbm>> -> memref<128x128xf32, #tpu.memory_space<hbm>>
    %dma_wait3A_35 = arith.constant 0 : i32
    %dma_wait3A_36 = arith.constant 0 : i32
    %dma_wait3A_37 = tpu.memref_slice %arg5[%dma_wait3A_35, %dma_wait3A_36] : memref<640x128xf32, #tpu.memory_space<hbm>> -> memref<128x128xf32, #tpu.memory_space<hbm>>
    tpu.wait_dma2 semaphore(%arg17 : memref<!tpu.dma_semaphore, #tpu.memory_space<semaphore_mem>>) src(%dma_wait3A_37 : memref<128x128xf32, #tpu.memory_space<hbm>>) dst(%arg10 : memref<128x128xf32, #tpu.memory_space<vmem>>)
    %dma_wait3A_38 = arith.constant 0 : i32
    %dma_wait3A_39 = arith.constant 0 : i32
    %dma_wait3A_40 = tpu.memref_slice %arg5[%dma_wait3A_38, %dma_wait3A_39] : memref<640x128xf32, #tpu.memory_space<hbm>> -> memref<128x128xf32, #tpu.memory_space<hbm>>
    %dma_wait3A_41 = arith.constant 0 : i32
    %dma_wait3A_42 = arith.constant 0 : i32
    %dma_wait3A_43 = tpu.memref_slice %arg5[%dma_wait3A_41, %dma_wait3A_42] : memref<640x128xf32, #tpu.memory_space<hbm>> -> memref<128x128xf32, #tpu.memory_space<hbm>>
    tpu.wait_dma2 semaphore(%arg18 : memref<!tpu.dma_semaphore, #tpu.memory_space<semaphore_mem>>) src(%dma_wait3A_43 : memref<128x128xf32, #tpu.memory_space<hbm>>) dst(%arg11 : memref<128x128xf32, #tpu.memory_space<vmem>>)
    %barrier3A_44 = arith.constant 0 : index
    tpu.barrier barrier_id(%barrier3A_44)
    %scan3A_45 = arith.constant 0 : i32
    %scan3A_46 = arith.constant 0 : i32
    %scan3A_47 = arith.constant 5 : i32
    %scan3A_48 = arith.addi %scan3A_46, %scan3A_47 : i32
    %scan3A_49 = arith.constant 1 : i32
    scf.for %scan3A_51 = %scan3A_46 to %scan3A_48 step %scan3A_49  : i32 {
      %mul3A_52 = arith.constant 640 : i32
      %mul3A_53 = arith.muli %arg1, %mul3A_52 : i32
      %mul3A_54 = arith.constant 128 : i32
      %mul3A_55 = arith.muli %scan3A_51, %mul3A_54 : i32
      %add3A_56 = arith.addi %mul3A_53, %mul3A_55 : i32
      "tpu.region"() ({
        %run_scoped3A = tpu.sem_alloc : memref<!tpu.dma_semaphore, #tpu.memory_space<semaphore_mem>>
        %dma_start3A_60 = arith.constant 0 : i32
        %dma_start3A_61 = tpu.memref_slice %arg12[%add3A_56, %dma_start3A_60] : memref<10240x128xf32, #tpu.memory_space<vmem_shared>> -> memref<128x128xf32, #tpu.memory_space<vmem_shared>>
        %dma_start3A_62 = arith.constant 0 : i32
        %dma_start3A_63 = tpu.memref_slice %arg12[%add3A_56, %dma_start3A_62] : memref<10240x128xf32, #tpu.memory_space<vmem_shared>> -> memref<128x128xf32, #tpu.memory_space<vmem_shared>>
        tpu.enqueue_dma source(%dma_start3A_63 : memref<128x128xf32, #tpu.memory_space<vmem_shared>>) target(%arg10 : memref<128x128xf32, #tpu.memory_space<vmem>>) target_semaphore(%run_scoped3A : memref<!tpu.dma_semaphore, #tpu.memory_space<semaphore_mem>>)
        %dma_wait3A_64 = arith.constant 0 : i32
        %dma_wait3A_65 = tpu.memref_slice %arg12[%add3A_56, %dma_wait3A_64] : memref<10240x128xf32, #tpu.memory_space<vmem_shared>> -> memref<128x128xf32, #tpu.memory_space<vmem_shared>>
        %dma_wait3A_66 = arith.constant 0 : i32
        %dma_wait3A_67 = tpu.memref_slice %arg12[%add3A_56, %dma_wait3A_66] : memref<10240x128xf32, #tpu.memory_space<vmem_shared>> -> memref<128x128xf32, #tpu.memory_space<vmem_shared>>
        tpu.wait_dma2 semaphore(%run_scoped3A : memref<!tpu.dma_semaphore, #tpu.memory_space<semaphore_mem>>) src(%dma_wait3A_67 : memref<128x128xf32, #tpu.memory_space<vmem_shared>>) dst(%arg10 : memref<128x128xf32, #tpu.memory_space<vmem>>)
        tpu.yield
      }) : () -> ()
      %mul3A_57 = arith.constant 10240 : i32
      %mul3A_58 = arith.muli %arg0, %mul3A_57 : i32
      %add3A_59 = arith.addi %mul3A_58, %add3A_56 : i32
      "tpu.region"() ({
        %run_scoped3A = tpu.sem_alloc : memref<!tpu.dma_semaphore, #tpu.memory_space<semaphore_mem>>
        %dma_start3A_60 = arith.constant 0 : i32
        %dma_start3A_61 = tpu.memref_slice %arg6[%add3A_59, %dma_start3A_60] : memref<20480x128xf32, #tpu.memory_space<hbm>> -> memref<128x128xf32, #tpu.memory_space<hbm>>
        %dma_start3A_62 = arith.constant 0 : i32
        %dma_start3A_63 = tpu.memref_slice %arg6[%add3A_59, %dma_start3A_62] : memref<20480x128xf32, #tpu.memory_space<hbm>> -> memref<128x128xf32, #tpu.memory_space<hbm>>
        tpu.enqueue_dma source(%arg10 : memref<128x128xf32, #tpu.memory_space<vmem>>) target(%dma_start3A_63 : memref<128x128xf32, #tpu.memory_space<hbm>>) target_semaphore(%run_scoped3A : memref<!tpu.dma_semaphore, #tpu.memory_space<semaphore_mem>>)
        %dma_wait3A_64 = arith.constant 0 : i32
        %dma_wait3A_65 = tpu.memref_slice %arg6[%add3A_59, %dma_wait3A_64] : memref<20480x128xf32, #tpu.memory_space<hbm>> -> memref<128x128xf32, #tpu.memory_space<hbm>>
        %dma_wait3A_66 = arith.constant 0 : i32
        %dma_wait3A_67 = tpu.memref_slice %arg6[%add3A_59, %dma_wait3A_66] : memref<20480x128xf32, #tpu.memory_space<hbm>> -> memref<128x128xf32, #tpu.memory_space<hbm>>
        tpu.wait_dma2 semaphore(%run_scoped3A : memref<!tpu.dma_semaphore, #tpu.memory_space<semaphore_mem>>) src(%arg10 : memref<128x128xf32, #tpu.memory_space<vmem>>) dst(%dma_wait3A_67 : memref<128x128xf32, #tpu.memory_space<hbm>>)
        tpu.yield
      }) : () -> ()
    }
    %scan3A_50 = arith.constant 5 : i32
    return
  }
}

module attributes {stable_mosaic.version = 14 : i64} {
  func.func @_tab1_body(%arg0: i32, %arg1: memref<400x128xf32, #tpu.memory_space<vmem>>, %arg2: memref<4x128x128xf32, #tpu.memory_space<vmem>>, %arg3: memref<4x400x128xf32, #tpu.memory_space<vmem>>) attributes {dimension_semantics = [#tpu.dimension_semantics<arbitrary>], iteration_bounds = array<i64: 25>, scalar_prefetch = 0 : i64, scratch_operands = 0 : i64, tpu.core_type = #tpu.core_type<tc>, window_params = [{transform_indices = @transform_0, window_bounds = array<i64: 400, 128>}, {pipeline_mode = #tpu.pipeline_mode<synchronous>, transform_indices = @transform_1, window_bounds = array<i64: 4, 128, 128>}, {transform_indices = @transform_2, window_bounds = array<i64: 4, 400, 128>}]} {
    %get3A = arith.constant 0 : index
    %get3A_0 = arith.constant 0 : index
    %get3A_1 = vector.load %arg1[%get3A, %get3A_0] : memref<400x128xf32, #tpu.memory_space<vmem>>, vector<400x128xf32>
    %get3A_2 = arith.constant 0 : index
    %get3A_3 = arith.constant 0 : index
    %get3A_4 = arith.constant 0 : index
    %get3A_5 = vector.load %arg2[%get3A_2, %get3A_3, %get3A_4] : memref<4x128x128xf32, #tpu.memory_space<vmem>>, vector<1x128x128xf32>
    %get3A_6 = vector.shape_cast %get3A_5 : vector<1x128x128xf32> to vector<128x128xf32>
    %dot_general3A = arith.constant dense<0.000000e+00> : vector<400x128xf32>
    %dot_general3A_7 = tpu.matmul %get3A_1, %get3A_6, %dot_general3A {dimension_numbers = #tpu.dot_dimension_numbers<[1], [0], [0], [1], [0, 0, 1, 1], [], []>, transpose_lhs_hint = false} : vector<400x128xf32>, vector<128x128xf32>, vector<400x128xf32> -> vector<400x128xf32>
    %swap3A = arith.constant 0 : index
    %swap3A_8 = arith.constant 0 : index
    %swap3A_9 = arith.constant 0 : index
    %swap3A_10 = vector.load %arg3[%swap3A, %swap3A_8, %swap3A_9] : memref<4x400x128xf32, #tpu.memory_space<vmem>>, vector<1x400x128xf32>
    %swap3A_11 = vector.shape_cast %swap3A_10 : vector<1x400x128xf32> to vector<400x128xf32>
    %swap3A_12 = vector.shape_cast %dot_general3A_7 : vector<400x128xf32> to vector<1x400x128xf32>
    tpu.vector_store %arg3[%swap3A, %swap3A_8, %swap3A_9], %swap3A_12 {strides = array<i32>} : memref<4x400x128xf32, #tpu.memory_space<vmem>>, vector<1x400x128xf32>,
    %get3A_13 = arith.constant 1 : index
    %get3A_14 = arith.constant 0 : index
    %get3A_15 = arith.constant 0 : index
    %get3A_16 = vector.load %arg2[%get3A_13, %get3A_14, %get3A_15] : memref<4x128x128xf32, #tpu.memory_space<vmem>>, vector<1x128x128xf32>
    %get3A_17 = vector.shape_cast %get3A_16 : vector<1x128x128xf32> to vector<128x128xf32>
    %dot_general3A_18 = arith.constant dense<0.000000e+00> : vector<400x128xf32>
    %dot_general3A_19 = tpu.matmul %get3A_1, %get3A_17, %dot_general3A_18 {dimension_numbers = #tpu.dot_dimension_numbers<[1], [0], [0], [1], [0, 0, 1, 1], [], []>, transpose_lhs_hint = false} : vector<400x128xf32>, vector<128x128xf32>, vector<400x128xf32> -> vector<400x128xf32>
    %swap3A_20 = arith.constant 1 : index
    %swap3A_21 = arith.constant 0 : index
    %swap3A_22 = arith.constant 0 : index
    %swap3A_23 = vector.load %arg3[%swap3A_20, %swap3A_21, %swap3A_22] : memref<4x400x128xf32, #tpu.memory_space<vmem>>, vector<1x400x128xf32>
    %swap3A_24 = vector.shape_cast %swap3A_23 : vector<1x400x128xf32> to vector<400x128xf32>
    %swap3A_25 = vector.shape_cast %dot_general3A_19 : vector<400x128xf32> to vector<1x400x128xf32>
    tpu.vector_store %arg3[%swap3A_20, %swap3A_21, %swap3A_22], %swap3A_25 {strides = array<i32>} : memref<4x400x128xf32, #tpu.memory_space<vmem>>, vector<1x400x128xf32>,
    %get3A_26 = arith.constant 2 : index
    %get3A_27 = arith.constant 0 : index
    %get3A_28 = arith.constant 0 : index
    %get3A_29 = vector.load %arg2[%get3A_26, %get3A_27, %get3A_28] : memref<4x128x128xf32, #tpu.memory_space<vmem>>, vector<1x128x128xf32>
    %get3A_30 = vector.shape_cast %get3A_29 : vector<1x128x128xf32> to vector<128x128xf32>
    %dot_general3A_31 = arith.constant dense<0.000000e+00> : vector<400x128xf32>
    %dot_general3A_32 = tpu.matmul %get3A_1, %get3A_30, %dot_general3A_31 {dimension_numbers = #tpu.dot_dimension_numbers<[1], [0], [0], [1], [0, 0, 1, 1], [], []>, transpose_lhs_hint = false} : vector<400x128xf32>, vector<128x128xf32>, vector<400x128xf32> -> vector<400x128xf32>
    %swap3A_33 = arith.constant 2 : index
    %swap3A_34 = arith.constant 0 : index
    %swap3A_35 = arith.constant 0 : index
    %swap3A_36 = vector.load %arg3[%swap3A_33, %swap3A_34, %swap3A_35] : memref<4x400x128xf32, #tpu.memory_space<vmem>>, vector<1x400x128xf32>
    %swap3A_37 = vector.shape_cast %swap3A_36 : vector<1x400x128xf32> to vector<400x128xf32>
    %swap3A_38 = vector.shape_cast %dot_general3A_32 : vector<400x128xf32> to vector<1x400x128xf32>
    tpu.vector_store %arg3[%swap3A_33, %swap3A_34, %swap3A_35], %swap3A_38 {strides = array<i32>} : memref<4x400x128xf32, #tpu.memory_space<vmem>>, vector<1x400x128xf32>,
    %get3A_39 = arith.constant 3 : index
    %get3A_40 = arith.constant 0 : index
    %get3A_41 = arith.constant 0 : index
    %get3A_42 = vector.load %arg2[%get3A_39, %get3A_40, %get3A_41] : memref<4x128x128xf32, #tpu.memory_space<vmem>>, vector<1x128x128xf32>
    %get3A_43 = vector.shape_cast %get3A_42 : vector<1x128x128xf32> to vector<128x128xf32>
    %dot_general3A_44 = arith.constant dense<0.000000e+00> : vector<400x128xf32>
    %dot_general3A_45 = tpu.matmul %get3A_1, %get3A_43, %dot_general3A_44 {dimension_numbers = #tpu.dot_dimension_numbers<[1], [0], [0], [1], [0, 0, 1, 1], [], []>, transpose_lhs_hint = false} : vector<400x128xf32>, vector<128x128xf32>, vector<400x128xf32> -> vector<400x128xf32>
    %swap3A_46 = arith.constant 3 : index
    %swap3A_47 = arith.constant 0 : index
    %swap3A_48 = arith.constant 0 : index
    %swap3A_49 = vector.load %arg3[%swap3A_46, %swap3A_47, %swap3A_48] : memref<4x400x128xf32, #tpu.memory_space<vmem>>, vector<1x400x128xf32>
    %swap3A_50 = vector.shape_cast %swap3A_49 : vector<1x400x128xf32> to vector<400x128xf32>
    %swap3A_51 = vector.shape_cast %dot_general3A_45 : vector<400x128xf32> to vector<1x400x128xf32>
    tpu.vector_store %arg3[%swap3A_46, %swap3A_47, %swap3A_48], %swap3A_51 {strides = array<i32>} : memref<4x400x128xf32, #tpu.memory_space<vmem>>, vector<1x400x128xf32>,
    return
  }
  func.func @transform_0(%arg0: i32) -> (i32, i32) {
    %c0_i32 = arith.constant 0 : i32
    %c0_i32_0 = arith.constant 0 : i32
    return %arg0, %c0_i32 : i32, i32
  }
  func.func @transform_1(%arg0: i32) -> (i32, i32, i32) {
    %c0_i32 = arith.constant 0 : i32
    %c0_i32_0 = arith.constant 0 : i32
    %c0_i32_1 = arith.constant 0 : i32
    %c0_i32_2 = arith.constant 0 : i32
    return %c0_i32, %c0_i32_0, %c0_i32_1 : i32, i32, i32
  }
  func.func @transform_2(%arg0: i32) -> (i32, i32, i32) {
    %c0_i32 = arith.constant 0 : i32
    %c0_i32_0 = arith.constant 0 : i32
    %c0_i32_1 = arith.constant 0 : i32
    return %c0_i32, %arg0, %c0_i32_0 : i32, i32, i32
  }
}

module attributes {stable_mosaic.version = 14 : i64} {
  func.func @_tab2_body(%arg0: i32, %arg1: memref<2x400x128xf32, #tpu.memory_space<vmem>>, %arg2: memref<2x400x16xf32, #tpu.memory_space<vmem>>, %arg3: memref<400x128xf32, #tpu.memory_space<vmem>>, %arg4: memref<4x128x128xf32, #tpu.memory_space<vmem>>, %arg5: memref<4x128xf32, #tpu.memory_space<vmem>>, %arg6: memref<4x128x128xf32, #tpu.memory_space<vmem>>, %arg7: memref<4x400x128xf32, #tpu.memory_space<vmem>>, %arg8: memref<400x128xf32, #tpu.memory_space<vmem>>) attributes {dimension_semantics = [#tpu.dimension_semantics<arbitrary>], iteration_bounds = array<i64: 25>, scalar_prefetch = 0 : i64, scratch_operands = 0 : i64, tpu.core_type = #tpu.core_type<tc>, window_params = [{transform_indices = @transform_0, window_bounds = array<i64: 2, 400, 128>}, {transform_indices = @transform_1, window_bounds = array<i64: 2, 400, 16>}, {transform_indices = @transform_2, window_bounds = array<i64: 400, 128>}, {pipeline_mode = #tpu.pipeline_mode<synchronous>, transform_indices = @transform_3, window_bounds = array<i64: 4, 128, 128>}, {pipeline_mode = #tpu.pipeline_mode<synchronous>, transform_indices = @transform_4, window_bounds = array<i64: 4, 128>}, {pipeline_mode = #tpu.pipeline_mode<synchronous>, transform_indices = @transform_5, window_bounds = array<i64: 4, 128, 128>}, {transform_indices = @transform_6, window_bounds = array<i64: 4, 400, 128>}, {transform_indices = @transform_7, window_bounds = array<i64: 400, 128>}]} {
    %get3A = arith.constant 0 : index
    %get3A_0 = arith.constant 0 : index
    %get3A_1 = arith.constant 0 : index
    %get3A_2 = vector.load %arg2[%get3A, %get3A_0, %get3A_1] : memref<2x400x16xf32, #tpu.memory_space<vmem>>, vector<1x400x16xf32>
    %get3A_3 = vector.shape_cast %get3A_2 : vector<1x400x16xf32> to vector<400x16xf32>
    %get3A_4 = arith.constant 1 : index
    %get3A_5 = arith.constant 0 : index
    %get3A_6 = arith.constant 0 : index
    %get3A_7 = vector.load %arg2[%get3A_4, %get3A_5, %get3A_6] : memref<2x400x16xf32, #tpu.memory_space<vmem>>, vector<1x400x16xf32>
    %get3A_8 = vector.shape_cast %get3A_7 : vector<1x400x16xf32> to vector<400x16xf32>
    %add3A = arith.addf %get3A_3, %get3A_8 : vector<400x16xf32>
    %get3A_9 = arith.constant 0 : index
    %get3A_10 = arith.constant 0 : index
    %get3A_11 = vector.load %arg3[%get3A_9, %get3A_10] : memref<400x128xf32, #tpu.memory_space<vmem>>, vector<400x128xf32>
    %get3A_12 = arith.constant 0 : index
    %get3A_13 = arith.constant 0 : index
    %get3A_14 = arith.constant 0 : index
    %get3A_15 = vector.load %arg1[%get3A_12, %get3A_13, %get3A_14] : memref<2x400x128xf32, #tpu.memory_space<vmem>>, vector<1x400x128xf32>
    %get3A_16 = vector.shape_cast %get3A_15 : vector<1x400x128xf32> to vector<400x128xf32>
    %get3A_17 = arith.constant 1 : index
    %get3A_18 = arith.constant 0 : index
    %get3A_19 = arith.constant 0 : index
    %get3A_20 = vector.load %arg1[%get3A_17, %get3A_18, %get3A_19] : memref<2x400x128xf32, #tpu.memory_space<vmem>>, vector<1x400x128xf32>
    %get3A_21 = vector.shape_cast %get3A_20 : vector<1x400x128xf32> to vector<400x128xf32>
    %add3A_22 = arith.addf %get3A_16, %get3A_21 : vector<400x128xf32>
    %get3A_23 = arith.constant 0 : index
    %get3A_24 = arith.constant 0 : index
    %get3A_25 = arith.constant 0 : index
    %get3A_26 = vector.load %arg4[%get3A_23, %get3A_24, %get3A_25] : memref<4x128x128xf32, #tpu.memory_space<vmem>>, vector<1x128x128xf32>
    %get3A_27 = vector.shape_cast %get3A_26 : vector<1x128x128xf32> to vector<128x128xf32>
    %dot_general3A = arith.constant dense<0.000000e+00> : vector<400x128xf32>
    %dot_general3A_28 = tpu.matmul %get3A_11, %get3A_27, %dot_general3A {dimension_numbers = #tpu.dot_dimension_numbers<[1], [0], [0], [1], [0, 0, 1, 1], [], []>, transpose_lhs_hint = false} : vector<400x128xf32>, vector<128x128xf32>, vector<400x128xf32> -> vector<400x128xf32>
    %get3A_29 = arith.constant 0 : index
    %get3A_30 = arith.constant 0 : index
    %get3A_31 = vector.load %arg5[%get3A_29, %get3A_30] : memref<4x128xf32, #tpu.memory_space<vmem>>, vector<1x128xf32>
    %get3A_32 = vector.shape_cast %get3A_31 : vector<1x128xf32> to vector<128xf32>
    %broadcast_in_dim3A = vector.shape_cast %get3A_32 : vector<128xf32> to vector<1x128xf32>
    %add3A_33 = vector.broadcast %broadcast_in_dim3A : vector<1x128xf32> to vector<400x128xf32>
    %add3A_34 = arith.addf %dot_general3A_28, %add3A_33 : vector<400x128xf32>
    %slice3A = vector.extract_strided_slice %add3A {offsets = [0, 0], sizes = [400, 1], strides = [1, 1]} : vector<400x16xf32> to vector<400x1xf32>
    %mul3A = vector.broadcast %slice3A : vector<400x1xf32> to vector<400x128xf32>
    %mul3A_35 = arith.mulf %mul3A, %add3A_34 : vector<400x128xf32>
    %add3A_36 = arith.addf %add3A_22, %mul3A_35 : vector<400x128xf32>
    %get3A_37 = arith.constant 1 : index
    %get3A_38 = arith.constant 0 : index
    %get3A_39 = arith.constant 0 : index
    %get3A_40 = vector.load %arg4[%get3A_37, %get3A_38, %get3A_39] : memref<4x128x128xf32, #tpu.memory_space<vmem>>, vector<1x128x128xf32>
    %get3A_41 = vector.shape_cast %get3A_40 : vector<1x128x128xf32> to vector<128x128xf32>
    %dot_general3A_42 = arith.constant dense<0.000000e+00> : vector<400x128xf32>
    %dot_general3A_43 = tpu.matmul %get3A_11, %get3A_41, %dot_general3A_42 {dimension_numbers = #tpu.dot_dimension_numbers<[1], [0], [0], [1], [0, 0, 1, 1], [], []>, transpose_lhs_hint = false} : vector<400x128xf32>, vector<128x128xf32>, vector<400x128xf32> -> vector<400x128xf32>
    %get3A_44 = arith.constant 1 : index
    %get3A_45 = arith.constant 0 : index
    %get3A_46 = vector.load %arg5[%get3A_44, %get3A_45] : memref<4x128xf32, #tpu.memory_space<vmem>>, vector<1x128xf32>
    %get3A_47 = vector.shape_cast %get3A_46 : vector<1x128xf32> to vector<128xf32>
    %broadcast_in_dim3A_48 = vector.shape_cast %get3A_47 : vector<128xf32> to vector<1x128xf32>
    %add3A_49 = vector.broadcast %broadcast_in_dim3A_48 : vector<1x128xf32> to vector<400x128xf32>
    %add3A_50 = arith.addf %dot_general3A_43, %add3A_49 : vector<400x128xf32>
    %slice3A_51 = vector.extract_strided_slice %add3A {offsets = [0, 1], sizes = [400, 1], strides = [1, 1]} : vector<400x16xf32> to vector<400x1xf32>
    %mul3A_52 = vector.broadcast %slice3A_51 : vector<400x1xf32> to vector<400x128xf32>
    %mul3A_53 = arith.mulf %mul3A_52, %add3A_50 : vector<400x128xf32>
    %add3A_54 = arith.addf %add3A_36, %mul3A_53 : vector<400x128xf32>
    %get3A_55 = arith.constant 2 : index
    %get3A_56 = arith.constant 0 : index
    %get3A_57 = arith.constant 0 : index
    %get3A_58 = vector.load %arg4[%get3A_55, %get3A_56, %get3A_57] : memref<4x128x128xf32, #tpu.memory_space<vmem>>, vector<1x128x128xf32>
    %get3A_59 = vector.shape_cast %get3A_58 : vector<1x128x128xf32> to vector<128x128xf32>
    %dot_general3A_60 = arith.constant dense<0.000000e+00> : vector<400x128xf32>
    %dot_general3A_61 = tpu.matmul %get3A_11, %get3A_59, %dot_general3A_60 {dimension_numbers = #tpu.dot_dimension_numbers<[1], [0], [0], [1], [0, 0, 1, 1], [], []>, transpose_lhs_hint = false} : vector<400x128xf32>, vector<128x128xf32>, vector<400x128xf32> -> vector<400x128xf32>
    %get3A_62 = arith.constant 2 : index
    %get3A_63 = arith.constant 0 : index
    %get3A_64 = vector.load %arg5[%get3A_62, %get3A_63] : memref<4x128xf32, #tpu.memory_space<vmem>>, vector<1x128xf32>
    %get3A_65 = vector.shape_cast %get3A_64 : vector<1x128xf32> to vector<128xf32>
    %broadcast_in_dim3A_66 = vector.shape_cast %get3A_65 : vector<128xf32> to vector<1x128xf32>
    %add3A_67 = vector.broadcast %broadcast_in_dim3A_66 : vector<1x128xf32> to vector<400x128xf32>
    %add3A_68 = arith.addf %dot_general3A_61, %add3A_67 : vector<400x128xf32>
    %slice3A_69 = vector.extract_strided_slice %add3A {offsets = [0, 2], sizes = [400, 1], strides = [1, 1]} : vector<400x16xf32> to vector<400x1xf32>
    %mul3A_70 = vector.broadcast %slice3A_69 : vector<400x1xf32> to vector<400x128xf32>
    %mul3A_71 = arith.mulf %mul3A_70, %add3A_68 : vector<400x128xf32>
    %add3A_72 = arith.addf %add3A_54, %mul3A_71 : vector<400x128xf32>
    %get3A_73 = arith.constant 3 : index
    %get3A_74 = arith.constant 0 : index
    %get3A_75 = arith.constant 0 : index
    %get3A_76 = vector.load %arg4[%get3A_73, %get3A_74, %get3A_75] : memref<4x128x128xf32, #tpu.memory_space<vmem>>, vector<1x128x128xf32>
    %get3A_77 = vector.shape_cast %get3A_76 : vector<1x128x128xf32> to vector<128x128xf32>
    %dot_general3A_78 = arith.constant dense<0.000000e+00> : vector<400x128xf32>
    %dot_general3A_79 = tpu.matmul %get3A_11, %get3A_77, %dot_general3A_78 {dimension_numbers = #tpu.dot_dimension_numbers<[1], [0], [0], [1], [0, 0, 1, 1], [], []>, transpose_lhs_hint = false} : vector<400x128xf32>, vector<128x128xf32>, vector<400x128xf32> -> vector<400x128xf32>
    %get3A_80 = arith.constant 3 : index
    %get3A_81 = arith.constant 0 : index
    %get3A_82 = vector.load %arg5[%get3A_80, %get3A_81] : memref<4x128xf32, #tpu.memory_space<vmem>>, vector<1x128xf32>
    %get3A_83 = vector.shape_cast %get3A_82 : vector<1x128xf32> to vector<128xf32>
    %broadcast_in_dim3A_84 = vector.shape_cast %get3A_83 : vector<128xf32> to vector<1x128xf32>
    %add3A_85 = vector.broadcast %broadcast_in_dim3A_84 : vector<1x128xf32> to vector<400x128xf32>
    %add3A_86 = arith.addf %dot_general3A_79, %add3A_85 : vector<400x128xf32>
    %slice3A_87 = vector.extract_strided_slice %add3A {offsets = [0, 3], sizes = [400, 1], strides = [1, 1]} : vector<400x16xf32> to vector<400x1xf32>
    %mul3A_88 = vector.broadcast %slice3A_87 : vector<400x1xf32> to vector<400x128xf32>
    %mul3A_89 = arith.mulf %mul3A_88, %add3A_86 : vector<400x128xf32>
    %add3A_90 = arith.addf %add3A_72, %mul3A_89 : vector<400x128xf32>
    %max3A = arith.constant 0.000000e+00 : f32
    %max3A_91 = vector.broadcast %max3A : f32 to vector<400x128xf32>
    %max3A_92 = arith.maximumf %add3A_90, %max3A_91 : vector<400x128xf32>
    %get3A_93 = arith.constant 0 : index
    %get3A_94 = arith.constant 0 : index
    %get3A_95 = arith.constant 0 : index
    %get3A_96 = vector.load %arg6[%get3A_93, %get3A_94, %get3A_95] : memref<4x128x128xf32, #tpu.memory_space<vmem>>, vector<1x128x128xf32>
    %get3A_97 = vector.shape_cast %get3A_96 : vector<1x128x128xf32> to vector<128x128xf32>
    %dot_general3A_98 = arith.constant dense<0.000000e+00> : vector<400x128xf32>
    %dot_general3A_99 = tpu.matmul %max3A_92, %get3A_97, %dot_general3A_98 {dimension_numbers = #tpu.dot_dimension_numbers<[1], [0], [0], [1], [0, 0, 1, 1], [], []>, transpose_lhs_hint = false} : vector<400x128xf32>, vector<128x128xf32>, vector<400x128xf32> -> vector<400x128xf32>
    %swap3A = arith.constant 0 : index
    %swap3A_100 = arith.constant 0 : index
    %swap3A_101 = arith.constant 0 : index
    %swap3A_102 = vector.load %arg7[%swap3A, %swap3A_100, %swap3A_101] : memref<4x400x128xf32, #tpu.memory_space<vmem>>, vector<1x400x128xf32>
    %swap3A_103 = vector.shape_cast %swap3A_102 : vector<1x400x128xf32> to vector<400x128xf32>
    %swap3A_104 = vector.shape_cast %dot_general3A_99 : vector<400x128xf32> to vector<1x400x128xf32>
    tpu.vector_store %arg7[%swap3A, %swap3A_100, %swap3A_101], %swap3A_104 {strides = array<i32>} : memref<4x400x128xf32, #tpu.memory_space<vmem>>, vector<1x400x128xf32>,
    %get3A_105 = arith.constant 1 : index
    %get3A_106 = arith.constant 0 : index
    %get3A_107 = arith.constant 0 : index
    %get3A_108 = vector.load %arg6[%get3A_105, %get3A_106, %get3A_107] : memref<4x128x128xf32, #tpu.memory_space<vmem>>, vector<1x128x128xf32>
    %get3A_109 = vector.shape_cast %get3A_108 : vector<1x128x128xf32> to vector<128x128xf32>
    %dot_general3A_110 = arith.constant dense<0.000000e+00> : vector<400x128xf32>
    %dot_general3A_111 = tpu.matmul %max3A_92, %get3A_109, %dot_general3A_110 {dimension_numbers = #tpu.dot_dimension_numbers<[1], [0], [0], [1], [0, 0, 1, 1], [], []>, transpose_lhs_hint = false} : vector<400x128xf32>, vector<128x128xf32>, vector<400x128xf32> -> vector<400x128xf32>
    %swap3A_112 = arith.constant 1 : index
    %swap3A_113 = arith.constant 0 : index
    %swap3A_114 = arith.constant 0 : index
    %swap3A_115 = vector.load %arg7[%swap3A_112, %swap3A_113, %swap3A_114] : memref<4x400x128xf32, #tpu.memory_space<vmem>>, vector<1x400x128xf32>
    %swap3A_116 = vector.shape_cast %swap3A_115 : vector<1x400x128xf32> to vector<400x128xf32>
    %swap3A_117 = vector.shape_cast %dot_general3A_111 : vector<400x128xf32> to vector<1x400x128xf32>
    tpu.vector_store %arg7[%swap3A_112, %swap3A_113, %swap3A_114], %swap3A_117 {strides = array<i32>} : memref<4x400x128xf32, #tpu.memory_space<vmem>>, vector<1x400x128xf32>,
    %get3A_118 = arith.constant 2 : index
    %get3A_119 = arith.constant 0 : index
    %get3A_120 = arith.constant 0 : index
    %get3A_121 = vector.load %arg6[%get3A_118, %get3A_119, %get3A_120] : memref<4x128x128xf32, #tpu.memory_space<vmem>>, vector<1x128x128xf32>
    %get3A_122 = vector.shape_cast %get3A_121 : vector<1x128x128xf32> to vector<128x128xf32>
    %dot_general3A_123 = arith.constant dense<0.000000e+00> : vector<400x128xf32>
    %dot_general3A_124 = tpu.matmul %max3A_92, %get3A_122, %dot_general3A_123 {dimension_numbers = #tpu.dot_dimension_numbers<[1], [0], [0], [1], [0, 0, 1, 1], [], []>, transpose_lhs_hint = false} : vector<400x128xf32>, vector<128x128xf32>, vector<400x128xf32> -> vector<400x128xf32>
    %swap3A_125 = arith.constant 2 : index
    %swap3A_126 = arith.constant 0 : index
    %swap3A_127 = arith.constant 0 : index
    %swap3A_128 = vector.load %arg7[%swap3A_125, %swap3A_126, %swap3A_127] : memref<4x400x128xf32, #tpu.memory_space<vmem>>, vector<1x400x128xf32>
    %swap3A_129 = vector.shape_cast %swap3A_128 : vector<1x400x128xf32> to vector<400x128xf32>
    %swap3A_130 = vector.shape_cast %dot_general3A_124 : vector<400x128xf32> to vector<1x400x128xf32>
    tpu.vector_store %arg7[%swap3A_125, %swap3A_126, %swap3A_127], %swap3A_130 {strides = array<i32>} : memref<4x400x128xf32, #tpu.memory_space<vmem>>, vector<1x400x128xf32>,
    %get3A_131 = arith.constant 3 : index
    %get3A_132 = arith.constant 0 : index
    %get3A_133 = arith.constant 0 : index
    %get3A_134 = vector.load %arg6[%get3A_131, %get3A_132, %get3A_133] : memref<4x128x128xf32, #tpu.memory_space<vmem>>, vector<1x128x128xf32>
    %get3A_135 = vector.shape_cast %get3A_134 : vector<1x128x128xf32> to vector<128x128xf32>
    %dot_general3A_136 = arith.constant dense<0.000000e+00> : vector<400x128xf32>
    %dot_general3A_137 = tpu.matmul %max3A_92, %get3A_135, %dot_general3A_136 {dimension_numbers = #tpu.dot_dimension_numbers<[1], [0], [0], [1], [0, 0, 1, 1], [], []>, transpose_lhs_hint = false} : vector<400x128xf32>, vector<128x128xf32>, vector<400x128xf32> -> vector<400x128xf32>
    %swap3A_138 = arith.constant 3 : index
    %swap3A_139 = arith.constant 0 : index
    %swap3A_140 = arith.constant 0 : index
    %swap3A_141 = vector.load %arg7[%swap3A_138, %swap3A_139, %swap3A_140] : memref<4x400x128xf32, #tpu.memory_space<vmem>>, vector<1x400x128xf32>
    %swap3A_142 = vector.shape_cast %swap3A_141 : vector<1x400x128xf32> to vector<400x128xf32>
    %swap3A_143 = vector.shape_cast %dot_general3A_137 : vector<400x128xf32> to vector<1x400x128xf32>
    tpu.vector_store %arg7[%swap3A_138, %swap3A_139, %swap3A_140], %swap3A_143 {strides = array<i32>} : memref<4x400x128xf32, #tpu.memory_space<vmem>>, vector<1x400x128xf32>,
    %swap3A_144 = arith.constant 0 : index
    %swap3A_145 = arith.constant 0 : index
    %swap3A_146 = vector.load %arg8[%swap3A_144, %swap3A_145] : memref<400x128xf32, #tpu.memory_space<vmem>>, vector<400x128xf32>
    tpu.vector_store %arg8[%swap3A_144, %swap3A_145], %max3A_92 {strides = array<i32>} : memref<400x128xf32, #tpu.memory_space<vmem>>, vector<400x128xf32>,
    return
  }
  func.func @transform_0(%arg0: i32) -> (i32, i32, i32) {
    %c0_i32 = arith.constant 0 : i32
    %c0_i32_0 = arith.constant 0 : i32
    %c0_i32_1 = arith.constant 0 : i32
    return %c0_i32, %arg0, %c0_i32_0 : i32, i32, i32
  }
  func.func @transform_1(%arg0: i32) -> (i32, i32, i32) {
    %c0_i32 = arith.constant 0 : i32
    %c0_i32_0 = arith.constant 0 : i32
    %c0_i32_1 = arith.constant 0 : i32
    return %c0_i32, %arg0, %c0_i32_0 : i32, i32, i32
  }
  func.func @transform_2(%arg0: i32) -> (i32, i32) {
    %c0_i32 = arith.constant 0 : i32
    %c0_i32_0 = arith.constant 0 : i32
    return %arg0, %c0_i32 : i32, i32
  }
  func.func @transform_3(%arg0: i32) -> (i32, i32, i32) {
    %c0_i32 = arith.constant 0 : i32
    %c0_i32_0 = arith.constant 0 : i32
    %c0_i32_1 = arith.constant 0 : i32
    %c0_i32_2 = arith.constant 0 : i32
    return %c0_i32, %c0_i32_0, %c0_i32_1 : i32, i32, i32
  }
  func.func @transform_4(%arg0: i32) -> (i32, i32) {
    %c0_i32 = arith.constant 0 : i32
    %c0_i32_0 = arith.constant 0 : i32
    %c0_i32_1 = arith.constant 0 : i32
    return %c0_i32, %c0_i32_0 : i32, i32
  }
  func.func @transform_5(%arg0: i32) -> (i32, i32, i32) {
    %c0_i32 = arith.constant 0 : i32
    %c0_i32_0 = arith.constant 0 : i32
    %c0_i32_1 = arith.constant 0 : i32
    %c0_i32_2 = arith.constant 0 : i32
    return %c0_i32, %c0_i32_0, %c0_i32_1 : i32, i32, i32
  }
  func.func @transform_6(%arg0: i32) -> (i32, i32, i32) {
    %c0_i32 = arith.constant 0 : i32
    %c0_i32_0 = arith.constant 0 : i32
    %c0_i32_1 = arith.constant 0 : i32
    return %c0_i32, %arg0, %c0_i32_0 : i32, i32, i32
  }
  func.func @transform_7(%arg0: i32) -> (i32, i32) {
    %c0_i32 = arith.constant 0 : i32
    %c0_i32_0 = arith.constant 0 : i32
    return %arg0, %c0_i32 : i32, i32
  }
}

module attributes {stable_mosaic.version = 14 : i64} {
  func.func @_fin_body(%arg0: i32, %arg1: memref<2x400x128xf32, #tpu.memory_space<vmem>>, %arg2: memref<2x400x16xf32, #tpu.memory_space<vmem>>, %arg3: memref<400x128xf32, #tpu.memory_space<vmem>>, %arg4: memref<4x128x128xf32, #tpu.memory_space<vmem>>, %arg5: memref<4x128xf32, #tpu.memory_space<vmem>>, %arg6: memref<400x128xf32, #tpu.memory_space<vmem>>) attributes {dimension_semantics = [#tpu.dimension_semantics<arbitrary>], iteration_bounds = array<i64: 25>, scalar_prefetch = 0 : i64, scratch_operands = 0 : i64, tpu.core_type = #tpu.core_type<tc>, window_params = [{transform_indices = @transform_0, window_bounds = array<i64: 2, 400, 128>}, {transform_indices = @transform_1, window_bounds = array<i64: 2, 400, 16>}, {transform_indices = @transform_2, window_bounds = array<i64: 400, 128>}, {pipeline_mode = #tpu.pipeline_mode<synchronous>, transform_indices = @transform_3, window_bounds = array<i64: 4, 128, 128>}, {pipeline_mode = #tpu.pipeline_mode<synchronous>, transform_indices = @transform_4, window_bounds = array<i64: 4, 128>}, {transform_indices = @transform_5, window_bounds = array<i64: 400, 128>}]} {
    %get3A = arith.constant 0 : index
    %get3A_0 = arith.constant 0 : index
    %get3A_1 = arith.constant 0 : index
    %get3A_2 = vector.load %arg2[%get3A, %get3A_0, %get3A_1] : memref<2x400x16xf32, #tpu.memory_space<vmem>>, vector<1x400x16xf32>
    %get3A_3 = vector.shape_cast %get3A_2 : vector<1x400x16xf32> to vector<400x16xf32>
    %get3A_4 = arith.constant 1 : index
    %get3A_5 = arith.constant 0 : index
    %get3A_6 = arith.constant 0 : index
    %get3A_7 = vector.load %arg2[%get3A_4, %get3A_5, %get3A_6] : memref<2x400x16xf32, #tpu.memory_space<vmem>>, vector<1x400x16xf32>
    %get3A_8 = vector.shape_cast %get3A_7 : vector<1x400x16xf32> to vector<400x16xf32>
    %add3A = arith.addf %get3A_3, %get3A_8 : vector<400x16xf32>
    %get3A_9 = arith.constant 0 : index
    %get3A_10 = arith.constant 0 : index
    %get3A_11 = vector.load %arg3[%get3A_9, %get3A_10] : memref<400x128xf32, #tpu.memory_space<vmem>>, vector<400x128xf32>
    %get3A_12 = arith.constant 0 : index
    %get3A_13 = arith.constant 0 : index
    %get3A_14 = arith.constant 0 : index
    %get3A_15 = vector.load %arg1[%get3A_12, %get3A_13, %get3A_14] : memref<2x400x128xf32, #tpu.memory_space<vmem>>, vector<1x400x128xf32>
    %get3A_16 = vector.shape_cast %get3A_15 : vector<1x400x128xf32> to vector<400x128xf32>
    %get3A_17 = arith.constant 1 : index
    %get3A_18 = arith.constant 0 : index
    %get3A_19 = arith.constant 0 : index
    %get3A_20 = vector.load %arg1[%get3A_17, %get3A_18, %get3A_19] : memref<2x400x128xf32, #tpu.memory_space<vmem>>, vector<1x400x128xf32>
    %get3A_21 = vector.shape_cast %get3A_20 : vector<1x400x128xf32> to vector<400x128xf32>
    %add3A_22 = arith.addf %get3A_16, %get3A_21 : vector<400x128xf32>
    %get3A_23 = arith.constant 0 : index
    %get3A_24 = arith.constant 0 : index
    %get3A_25 = arith.constant 0 : index
    %get3A_26 = vector.load %arg4[%get3A_23, %get3A_24, %get3A_25] : memref<4x128x128xf32, #tpu.memory_space<vmem>>, vector<1x128x128xf32>
    %get3A_27 = vector.shape_cast %get3A_26 : vector<1x128x128xf32> to vector<128x128xf32>
    %dot_general3A = arith.constant dense<0.000000e+00> : vector<400x128xf32>
    %dot_general3A_28 = tpu.matmul %get3A_11, %get3A_27, %dot_general3A {dimension_numbers = #tpu.dot_dimension_numbers<[1], [0], [0], [1], [0, 0, 1, 1], [], []>, transpose_lhs_hint = false} : vector<400x128xf32>, vector<128x128xf32>, vector<400x128xf32> -> vector<400x128xf32>
    %get3A_29 = arith.constant 0 : index
    %get3A_30 = arith.constant 0 : index
    %get3A_31 = vector.load %arg5[%get3A_29, %get3A_30] : memref<4x128xf32, #tpu.memory_space<vmem>>, vector<1x128xf32>
    %get3A_32 = vector.shape_cast %get3A_31 : vector<1x128xf32> to vector<128xf32>
    %broadcast_in_dim3A = vector.shape_cast %get3A_32 : vector<128xf32> to vector<1x128xf32>
    %add3A_33 = vector.broadcast %broadcast_in_dim3A : vector<1x128xf32> to vector<400x128xf32>
    %add3A_34 = arith.addf %dot_general3A_28, %add3A_33 : vector<400x128xf32>
    %slice3A = vector.extract_strided_slice %add3A {offsets = [0, 0], sizes = [400, 1], strides = [1, 1]} : vector<400x16xf32> to vector<400x1xf32>
    %mul3A = vector.broadcast %slice3A : vector<400x1xf32> to vector<400x128xf32>
    %mul3A_35 = arith.mulf %mul3A, %add3A_34 : vector<400x128xf32>
    %add3A_36 = arith.addf %add3A_22, %mul3A_35 : vector<400x128xf32>
    %get3A_37 = arith.constant 1 : index
    %get3A_38 = arith.constant 0 : index
    %get3A_39 = arith.constant 0 : index
    %get3A_40 = vector.load %arg4[%get3A_37, %get3A_38, %get3A_39] : memref<4x128x128xf32, #tpu.memory_space<vmem>>, vector<1x128x128xf32>
    %get3A_41 = vector.shape_cast %get3A_40 : vector<1x128x128xf32> to vector<128x128xf32>
    %dot_general3A_42 = arith.constant dense<0.000000e+00> : vector<400x128xf32>
    %dot_general3A_43 = tpu.matmul %get3A_11, %get3A_41, %dot_general3A_42 {dimension_numbers = #tpu.dot_dimension_numbers<[1], [0], [0], [1], [0, 0, 1, 1], [], []>, transpose_lhs_hint = false} : vector<400x128xf32>, vector<128x128xf32>, vector<400x128xf32> -> vector<400x128xf32>
    %get3A_44 = arith.constant 1 : index
    %get3A_45 = arith.constant 0 : index
    %get3A_46 = vector.load %arg5[%get3A_44, %get3A_45] : memref<4x128xf32, #tpu.memory_space<vmem>>, vector<1x128xf32>
    %get3A_47 = vector.shape_cast %get3A_46 : vector<1x128xf32> to vector<128xf32>
    %broadcast_in_dim3A_48 = vector.shape_cast %get3A_47 : vector<128xf32> to vector<1x128xf32>
    %add3A_49 = vector.broadcast %broadcast_in_dim3A_48 : vector<1x128xf32> to vector<400x128xf32>
    %add3A_50 = arith.addf %dot_general3A_43, %add3A_49 : vector<400x128xf32>
    %slice3A_51 = vector.extract_strided_slice %add3A {offsets = [0, 1], sizes = [400, 1], strides = [1, 1]} : vector<400x16xf32> to vector<400x1xf32>
    %mul3A_52 = vector.broadcast %slice3A_51 : vector<400x1xf32> to vector<400x128xf32>
    %mul3A_53 = arith.mulf %mul3A_52, %add3A_50 : vector<400x128xf32>
    %add3A_54 = arith.addf %add3A_36, %mul3A_53 : vector<400x128xf32>
    %get3A_55 = arith.constant 2 : index
    %get3A_56 = arith.constant 0 : index
    %get3A_57 = arith.constant 0 : index
    %get3A_58 = vector.load %arg4[%get3A_55, %get3A_56, %get3A_57] : memref<4x128x128xf32, #tpu.memory_space<vmem>>, vector<1x128x128xf32>
    %get3A_59 = vector.shape_cast %get3A_58 : vector<1x128x128xf32> to vector<128x128xf32>
    %dot_general3A_60 = arith.constant dense<0.000000e+00> : vector<400x128xf32>
    %dot_general3A_61 = tpu.matmul %get3A_11, %get3A_59, %dot_general3A_60 {dimension_numbers = #tpu.dot_dimension_numbers<[1], [0], [0], [1], [0, 0, 1, 1], [], []>, transpose_lhs_hint = false} : vector<400x128xf32>, vector<128x128xf32>, vector<400x128xf32> -> vector<400x128xf32>
    %get3A_62 = arith.constant 2 : index
    %get3A_63 = arith.constant 0 : index
    %get3A_64 = vector.load %arg5[%get3A_62, %get3A_63] : memref<4x128xf32, #tpu.memory_space<vmem>>, vector<1x128xf32>
    %get3A_65 = vector.shape_cast %get3A_64 : vector<1x128xf32> to vector<128xf32>
    %broadcast_in_dim3A_66 = vector.shape_cast %get3A_65 : vector<128xf32> to vector<1x128xf32>
    %add3A_67 = vector.broadcast %broadcast_in_dim3A_66 : vector<1x128xf32> to vector<400x128xf32>
    %add3A_68 = arith.addf %dot_general3A_61, %add3A_67 : vector<400x128xf32>
    %slice3A_69 = vector.extract_strided_slice %add3A {offsets = [0, 2], sizes = [400, 1], strides = [1, 1]} : vector<400x16xf32> to vector<400x1xf32>
    %mul3A_70 = vector.broadcast %slice3A_69 : vector<400x1xf32> to vector<400x128xf32>
    %mul3A_71 = arith.mulf %mul3A_70, %add3A_68 : vector<400x128xf32>
    %add3A_72 = arith.addf %add3A_54, %mul3A_71 : vector<400x128xf32>
    %get3A_73 = arith.constant 3 : index
    %get3A_74 = arith.constant 0 : index
    %get3A_75 = arith.constant 0 : index
    %get3A_76 = vector.load %arg4[%get3A_73, %get3A_74, %get3A_75] : memref<4x128x128xf32, #tpu.memory_space<vmem>>, vector<1x128x128xf32>
    %get3A_77 = vector.shape_cast %get3A_76 : vector<1x128x128xf32> to vector<128x128xf32>
    %dot_general3A_78 = arith.constant dense<0.000000e+00> : vector<400x128xf32>
    %dot_general3A_79 = tpu.matmul %get3A_11, %get3A_77, %dot_general3A_78 {dimension_numbers = #tpu.dot_dimension_numbers<[1], [0], [0], [1], [0, 0, 1, 1], [], []>, transpose_lhs_hint = false} : vector<400x128xf32>, vector<128x128xf32>, vector<400x128xf32> -> vector<400x128xf32>
    %get3A_80 = arith.constant 3 : index
    %get3A_81 = arith.constant 0 : index
    %get3A_82 = vector.load %arg5[%get3A_80, %get3A_81] : memref<4x128xf32, #tpu.memory_space<vmem>>, vector<1x128xf32>
    %get3A_83 = vector.shape_cast %get3A_82 : vector<1x128xf32> to vector<128xf32>
    %broadcast_in_dim3A_84 = vector.shape_cast %get3A_83 : vector<128xf32> to vector<1x128xf32>
    %add3A_85 = vector.broadcast %broadcast_in_dim3A_84 : vector<1x128xf32> to vector<400x128xf32>
    %add3A_86 = arith.addf %dot_general3A_79, %add3A_85 : vector<400x128xf32>
    %slice3A_87 = vector.extract_strided_slice %add3A {offsets = [0, 3], sizes = [400, 1], strides = [1, 1]} : vector<400x16xf32> to vector<400x1xf32>
    %mul3A_88 = vector.broadcast %slice3A_87 : vector<400x1xf32> to vector<400x128xf32>
    %mul3A_89 = arith.mulf %mul3A_88, %add3A_86 : vector<400x128xf32>
    %add3A_90 = arith.addf %add3A_72, %mul3A_89 : vector<400x128xf32>
    %swap3A = arith.constant 0 : index
    %swap3A_91 = arith.constant 0 : index
    %swap3A_92 = vector.load %arg6[%swap3A, %swap3A_91] : memref<400x128xf32, #tpu.memory_space<vmem>>, vector<400x128xf32>
    tpu.vector_store %arg6[%swap3A, %swap3A_91], %add3A_90 {strides = array<i32>} : memref<400x128xf32, #tpu.memory_space<vmem>>, vector<400x128xf32>,
    return
  }
  func.func @transform_0(%arg0: i32) -> (i32, i32, i32) {
    %c0_i32 = arith.constant 0 : i32
    %c0_i32_0 = arith.constant 0 : i32
    %c0_i32_1 = arith.constant 0 : i32
    return %c0_i32, %arg0, %c0_i32_0 : i32, i32, i32
  }
  func.func @transform_1(%arg0: i32) -> (i32, i32, i32) {
    %c0_i32 = arith.constant 0 : i32
    %c0_i32_0 = arith.constant 0 : i32
    %c0_i32_1 = arith.constant 0 : i32
    return %c0_i32, %arg0, %c0_i32_0 : i32, i32, i32
  }
  func.func @transform_2(%arg0: i32) -> (i32, i32) {
    %c0_i32 = arith.constant 0 : i32
    %c0_i32_0 = arith.constant 0 : i32
    return %arg0, %c0_i32 : i32, i32
  }
  func.func @transform_3(%arg0: i32) -> (i32, i32, i32) {
    %c0_i32 = arith.constant 0 : i32
    %c0_i32_0 = arith.constant 0 : i32
    %c0_i32_1 = arith.constant 0 : i32
    %c0_i32_2 = arith.constant 0 : i32
    return %c0_i32, %c0_i32_0, %c0_i32_1 : i32, i32, i32
  }
  func.func @transform_4(%arg0: i32) -> (i32, i32) {
    %c0_i32 = arith.constant 0 : i32
    %c0_i32_0 = arith.constant 0 : i32
    %c0_i32_1 = arith.constant 0 : i32
    return %c0_i32, %c0_i32_0 : i32, i32
  }
  func.func @transform_5(%arg0: i32) -> (i32, i32) {
    %c0_i32 = arith.constant 0 : i32
    %c0_i32_0 = arith.constant 0 : i32
    return %arg0, %c0_i32 : i32, i32
  }
}

</mosaic_0001>

<sc_bundles>
// kernel: kernel.11.cloned.1.call-start
scs
__scs_entry_jumppad:
0x0: {  	(pc) =	sbr.rel $0x88, $3  }
0x1: {  	(tag) =	ssettag $0x0;
	lr =	simm.s32 $0x1  }
0x2: {  	[smem:$0x3F9A] =	sst lr;
	_ =	strace $0xD0000000  }
0x3: {  	_ = 	snop  }
0x4: {  	_ = 	snop  }
0x5: {  	_ = 	snop  }
0x6: {  	_ = 	snop  }
0x7: {  	_ = 	snop  }
__scs_overlays_trampoline_lowered:
0x8: {  	[smem:$0x3FA9] =	sst s0  }
0x9: {  	[smem:$0x3FAA] =	sst s1  }
0xa: {  	[smem:$0x3FAB] =	sst s2  }
0xb: {  	[smem:$0x3FAC] =	sst s3  }
0xc: {  	[smem:$0x3FAD] =	sst s4  }
0xd: {  	[smem:$0x3FAE] =	sst s5  }
0xe: {  	[smem:$0x3FAF] =	sst s6  }
0xf: {  	[smem:$0x3FB0] =	sst s7  }
0x10: {  	[smem:$0x3FB1] =	sst s8  }
0x11: {  	[smem:$0x3FB2] =	sst s9;
	s0 =	simm.s32 @!p0 $0x0  }
0x12: {  	s1 =	sld [smem:$0x3F98];
	s0 =	simm.s32 @p0 $0x1  }
0x13: {  	[smem:$0x3FB3] =	sst s0;
	s0 =	simm.s32 @!p1 $0x0  }
0x14: {  	s2 =	sld [smem:$0x3F97];
	s0 =	simm.s32 @p1 $0x1  }
0x15: {  	[smem:$0x3FB4] =	sst s0;
	s0 =	simm.s32 @!p2 $0x0  }
0x16: {  	s3 =	sld [smem:$0x3FDB];
	s0 =	simm.s32 @p2 $0x1  }
0x17: {  	s4 =	simm.s32 $0x1BF5;
	[smem:$0x3FB6] =	sst s0  }
0x18: {  	s0 =	sld [smem:$0x3F99];
	_ =	swait.ge [sflag:s4], $0x0  }
0x19: {  	s7 =	sld [smem:$0x3F9A]  }
0x1a: {  	s8 =	sadd.s32 $0xFFFFE003, lr  }
0x1b: {  	s9 =	sadd.s32 $0xFFFFFEF7, lr;
	s5 =	simm.s32 $0xFFFFFFFF;
	p2 =	slt.u32 s8, $0xFFFFF086  }
0x1c: {  	p1 =	slt.u32 s9, $0xF7A;
	s5 =	simm.s32 @!p2 $0x0  }
0x1d: {  	s5 =	simm.s32 @p1 $0x1;
	p0 =	seq.s32 s7, s2  }
0x1e: {  	s7 =	smul.u32 @!p0 $0xF7A, s2;
	p2 =	seq.s32 @!p0 s5, $0x0  }
0x1f: {  	s9 =	smul.u32 $0xF7A, s1;
	s8 =	simm.s32 @!p0 $0x1BF5;
	p2 =	por !p2, p0  }
0x20: {  	[sflag:s8] =	ssyncset.s32 @!p0 $0xFFFFF086;
	s6 =	sadd.s32 @!p0 s3, s7;
	s7 =	simm.s32 @!p0 $0x108  }
0x21: {  	s3 =	sadd.s32 s3, s9;
	s6 =	sadd.s32 @!p0 $0x88, s6;
	s7 =	simm.s32 @p2 $0x1082  }
0x22: {  	[simem:s7], [sflag:s8] =	dma.local @!p0 [hbm:s6], $0xF7A  }
0x23: {  	s9 =	sor.u32 $0xD0000000, s2;
	s6 =	simm.s32 $0x108;
	_ =	swait.ge @!p0 [sflag:s8], $0x0  }
0x24: {  	s3 =	sadd.s32 $0x88, s3;
	s6 =	simm.s32 @!p1 $0x1082;
	[sflag:s4] =	ssyncset.s32 $0xFFFFF086  }
0x25: {  	[simem:s6], [sflag:s4] =	dma.local [hbm:s3], $0xF7A  }
0x26: {  	[smem:$0x3F9A] =	sst s1;
	(tag) =	ssettag s2;
	_ =	strace s9  }
0x27: {  	s1 =	sld [smem:$0x3FAA]  }
0x28: {  	s2 =	sld [smem:$0x3FAB]  }
0x29: {  	s4 =	sld [smem:$0x3FAD]  }
0x2a: {  	p0 =	seq.s32 s5, $0x0;
	s5 =	sld [smem:$0x3FAE]  }
0x2b: {  	s6 =	sld [smem:$0x3FAF]  }
0x2c: {  	s7 =	sld [smem:$0x3FB0]  }
0x2d: {  	s3 =	simm.s32 $0x108;
	s8 =	sld [smem:$0x3FB1]  }
0x2e: {  	s3 =	simm.s32 @!p0 $0x1082;
	s9 =	sld [smem:$0x3FB2]  }
0x2f: {  	lr =	sadd.s32 s0, s3;
	s0 =	sld [smem:$0x3FA9]  }
0x30: {  	s3 =	sld [smem:$0x3FAC]  }
0x31: {  	[smem:$0x3FB5] =	sst s10  }
0x32: {  	s10 =	sld [smem:$0x3FB3];
	_ =	sdelay $0x3  }
0x33: {  	p0 =	seq.s32 s10, $0x1;
	s10 =	sld [smem:$0x3FB5];
	_ =	sdelay $0x3  }
0x34: {  	[smem:$0x3FB5] =	sst s10  }
0x35: {  	s10 =	sld [smem:$0x3FB4];
	_ =	sdelay $0x3  }
0x36: {  	p1 =	seq.s32 s10, $0x1;
	s10 =	sld [smem:$0x3FB5];
	_ =	sdelay $0x3  }
0x37: {  	[smem:$0x3FB5] =	sst s10  }
0x38: {  	s10 =	sld [smem:$0x3FB6]  }
0x39: {  	_ = 	snop;
	(pc) =	sbr.ind lr, $3  }
0x3a: {  	_ = 	snop  }
0x3b: {  	_ = 	snop  }
0x3c: {  	p2 =	seq.s32 s10, $0x1;
	s10 =	sld [smem:$0x3FB5]  }
0x3d: {  	_ =	shalt  }
0x3e: {  	_ =	shalt  }
0x3f: {  	_ =	shalt  }
0x40: {  	_ =	shalt  }
0x41: {  	_ =	shalt  }
0x42: {  	_ =	shalt  }
0x43: {  	_ =	shalt  }
0x44: {  	_ =	shalt  }
0x45: {  	_ =	shalt  }
0x46: {  	_ =	shalt  }
0x47: {  	_ =	shalt  }
0x48: {  	_ =	shalt  }
0x49: {  	_ =	shalt  }
0x4a: {  	_ =	shalt  }
0x4b: {  	_ =	shalt  }
0x4c: {  	_ =	shalt  }
0x4d: {  	_ =	shalt  }
0x4e: {  	_ =	shalt  }
0x4f: {  	_ =	shalt  }
0x50: {  	_ =	shalt  }
0x51: {  	_ =	shalt  }
0x52: {  	_ =	shalt  }
0x53: {  	_ =	shalt  }
0x54: {  	_ =	shalt  }
0x55: {  	_ =	shalt  }
0x56: {  	_ =	shalt  }
0x57: {  	_ =	shalt  }
0x58: {  	_ =	shalt  }
0x59: {  	_ =	shalt  }
0x5a: {  	_ =	shalt  }
0x5b: {  	_ =	shalt  }
0x5c: {  	_ =	shalt  }
0x5d: {  	_ =	shalt  }
0x5e: {  	_ =	shalt  }
0x5f: {  	_ =	shalt  }
0x60: {  	_ =	shalt  }
0x61: {  	_ =	shalt  }
0x62: {  	_ =	shalt  }
0x63: {  	_ =	shalt  }
0x64: {  	_ =	shalt  }
0x65: {  	_ =	shalt  }
0x66: {  	_ =	shalt  }
0x67: {  	_ =	shalt  }
0x68: {  	_ =	shalt  }
0x69: {  	_ =	shalt  }
0x6a: {  	_ =	shalt  }
0x6b: {  	_ =	shalt  }
0x6c: {  	_ =	shalt  }
0x6d: {  	_ =	shalt  }
0x6e: {  	_ =	shalt  }
0x6f: {  	_ =	shalt  }
0x70: {  	_ =	shalt  }
0x71: {  	_ =	shalt  }
0x72: {  	_ =	shalt  }
0x73: {  	_ =	shalt  }
0x74: {  	_ =	shalt  }
0x75: {  	_ =	shalt  }
0x76: {  	_ =	shalt  }
0x77: {  	_ =	shalt  }
0x78: {  	_ =	shalt  }
0x79: {  	_ =	shalt  }
0x7a: {  	_ =	shalt  }
0x7b: {  	_ =	shalt  }
0x7c: {  	_ =	shalt  }
0x7d: {  	_ =	shalt  }
0x7e: {  	_ =	shalt  }
0x7f: {  	_ =	shalt  }
0x80: {  	_ =	shalt  }
0x81: {  	_ =	shalt  }
0x82: {  	_ =	shalt  }
0x83: {  	_ =	shalt  }
0x84: {  	_ =	shalt  }
0x85: {  	_ =	shalt  }
0x86: {  	_ =	shalt  }
0x87: {  	_ =	shalt  }
.Lfunc_end0:
.L_simem_size_0:
called_computation.1_lowered:
.L_overlay_start_0:
0x88: {  	s2 =	sld [smem:$0x3FD9]  }
0x89: {  	s3 =	sld [smem:$0x3FFE];
	_ =	sdelay $0x1  }
0x8a: {  	s1 =	srdreg.scid  }
0x8b: {  	s0 =	sand.u32 $0x1, s1  }
0x8c: {  	s17 =	sshll.u32 s0, $0xA;
	s2 =	sadd.s32 s3, s2  }
0x8d: {  	s2 =	sadd.s32 s2, s17  }
0x8e: {  	[smem:$0x3FC1] =	sst s2  }
0x8f: {  	_ = 	snop  }
0x90: {  	(tm) =	ssettm $0x1  }
0x91: {  	s18 =	sld [smem:$0x3FFB];
	_ =	sdelay $0x3  }
0x92: {  	_ =	strace s18  }
0x93: {  	s2 =	sld [smem:$0x3FFC];
	_ =	sdelay $0x3  }
0x94: {  	_ =	strace s2  }
0x95: {  	s2 =	sld [smem:$0x3FFD];
	_ =	sdelay $0x3  }
0x96: {  	_ =	strace s2  }
0x97: {  	_ =	strace $0x8FFFFFFF  }
0x98: {  	s19 =	sld [smem:$0x3FDB];
	_ =	sdelay $0x1  }
0x99: {  	s20 =	simm.s32 $_scs_section_size  }
0x9a: {  	s4 =	simm.s32 $_size__tile_overlayer_lowered;
	s5 =	simm.s32 $_tile_overlayer_lowered  }
0x9b: {  	s6 =	simm.s32 $0x1BFF;
	s21 =	sshll.u32 s5, $0x1;
	s3 =	sadd.s32 s20, s19  }
0x9c: {  	s22 =	simm.s32 $0x0;
	s4 =	sshll.u32 s4, $0x1;
	s5 =	sadd.s32 s21, s3  }
0x9d: {  	[timem:s22], [sflag:s6] =	dma.local [hbm:s5], s4  }
0x9e: {  	_ =	swait.ge [sflag:s6], s4  }
0x9f: {  	s4 =	ssub.s32 $0x0, s4;
	[sflag:s6] =	ssyncset.done $0x0  }
0xa0: {  	[sflag:s6] =	ssyncadd.s32 s4;
	_ =	sdelay $0x1  }
0xa1: {  	s23 =	simm.s32 $0x1B8B  }
0xa2: {  	_ =	swait.ge [sflag:s23], $0x1  }
0xa3: {  	[sflag:s23] =	ssyncset.done $0x0  }
0xa4: {  	[sflag:s23] =	ssyncadd.s32 $0xFFFFFFFF  }
0xa5: {  	s4 =	sld [smem:$0x0]  }
0xa6: {  	s5 =	sand.u32 $0xFFFFFFFE, s1  }
0xa7: {  	p0 =	sne.s32 s1, s5  }
0xa8: {  	s5 =	sshll.u32 @p0 s5, $0xE  }
0xa9: {  	s5 =	sadd.s32 @p0 $0x11B8D, s5;
	s6 =	sshll.u32 @p0 s4, $0x11  }
0xaa: {  	s5 =	sor.u32 @p0 s6, s5  }
0xab: {  	[sflag:s5] =	ssyncadd.remote.s32 @p0 $0x1;
	_ =	sdelay $0x1  }
0xac: {  	s5 =	simm.s32 @p0 $0x1B8D  }
0xad: {  	_ =	swait.eq @p0 [sflag:s5], $0x1  }
0xae: {  	[sflag:s5] =	ssyncadd.s32 @p0 $0xFFFFFFFF  }
0xaf: {  	s6 =	sshll.u32 @!p0 s1, $0xE  }
0xb0: {  	s6 =	sor.u32 @!p0 $0x4000, s6;
	s5 =	simm.s32 @!p0 $0x1B8D  }
0xb1: {  	s4 =	sshll.u32 @!p0 s4, $0x11;
	s6 =	sadd.s32 @!p0 $0x11B8D, s6;
	_ =	swait.eq @!p0 [sflag:s5], $0x1  }
0xb2: {  	s4 =	sor.u32 @!p0 s4, s6;
	[sflag:s5] =	ssyncadd.s32 @!p0 $0xFFFFFFFF  }
0xb3: {  	s25 =	simm.s32 $0x1B8E;
	s24 =	sld [smem:$0x3FFE];
	[sflag:s4] =	ssyncadd.remote.s32 @!p0 $0x1  }
0xb4: {  	s26 =	simm.s32 $execute0_lowered;
	[smem:$0x3FD2] =	sst s25  }
0xb5: {  	s5 =	sshll.u32 s26, $0x1;
	_ =	strace $0x80000049;
	[dreg:$0x1] =	wrdreg $0xFFFFFFFF  }
0xb6: {  	s28 =	simm.s32 $_size_execute0_lowered;
	s3 =	sadd.s32 s3, s5;
	[dreg:$0x0] =	wrdreg $0x0  }
0xb7: {  	s5 =	sshll.u32 s28, $0x1;
	[dreg:$0x2] =	wrdreg s3  }
0xb8: {  	[dreg:$0x3] =	wrdreg s5  }
0xb9: {  	[dreg:$0x4] =	wrdreg $0xC0  }
0xba: {  	_ =	task [dreg:s22], $0x5FFFF  }
0xbb: {  	[dreg:$0x1] =	wrdreg $0xFFFFFFFF  }
0xbc: {  	[dreg:$0x0] =	wrdreg $0x60  }
0xbd: {  	[dreg:$0x2] =	wrdreg s24  }
0xbe: {  	[dreg:$0x3] =	wrdreg $0x95000  }
0xbf: {  	[dreg:$0x4] =	wrdreg $0xA  }
0xc0: {  	_ =	task.clear_ibuf [dreg:s22], $0x5FFFF;
	_ =	strace $0x90000049  }
0xc1: {  	s29 =	simm.s32 $0xA;
	_ =	strace $0x8000004B  }
0xc2: {  	_ =	swait.ge [sflag:s29], $0x1  }
0xc3: {  	[sflag:s29] =	ssyncadd.s32 $0xFFFFFFFF  }
0xc4: {  	_ =	strace $0x9000004B  }
0xc5: {  	_ =	sfence  }
0xc6: {  	s30 =	sld [smem:$0x0];
	_ =	sdelay $0x2  }
0xc7: {  	s31 =	sshll.u32 s1, $0xD;
	s1 =	sshrl.u32 s1, $0x2  }
0xc8: {  	s4 =	sand.u32 $0x4000, s31;
	s1 =	sadd.s32 s1, s30  }
0xc9: {  	s0 =	sor.u32 s4, s0;
	s1 =	sshll.u32 s1, $0x11  }
0xca: {  	s0 =	sor.u32 s1, s0  }
0xcb: {  	s0 =	sadd.s32 $0x8F2B, s0  }
0xcc: {  	[sflag:s0] =	ssyncadd.remote.s32 $0x1  }
0xcd: {  	_ =	sfence.sel $0xFFFF  }
0xce: {  	[dreg:$0x0] =	wrdreg $0xFFFFFFFF;
	(pc) =	sbr.abs _section_cstart, $3  }
0xcf: {  	[dreg:$0x1] =	wrdreg $0xFFFFFFFF  }
0xd0: {  	_ =	task.clear_ibuf [dreg:s22], $0x2FFFF;
	_ =	strace $0x9FFFFFFF  }
0xd1: {  	(tm) =	ssettm $0x7FFFFFFF  }
tec
execute0_lowered:
.L_overlay_start_1:
0x0: {  	(tag) =	ssettag $0x1  }
0x1: {  	s0 =	srdreg.scid  }
0x2: {  	s1 =	rddreg [dreg:$0x0];
	s11 =	stileid.u32  }
0x3: {  	s2 =	rddreg [dreg:$0x1];
	s28 =	simm.s32 $0x1;
	s29 =	simm.s32 $0x3  }
0x4: {  	s30 =	simm.s32 $0x2;
	s31 =	simm.s32 $0x4;
	s0 =	sand.u32 $0x1, s0  }
0x5: {  	s9 =	sadd.s32 $0xB0400, s1;
	s10 =	smul.u32 $0x280, s11;
	s8 =	sadd.s32 $0x11800, s1  }
0x6: {  	s3 =	sshll.u32 s0, $0x4;
	s7 =	ssub.s32 $0x2, s0;
	s0 =	smul.u32 $0x2800, s0  }
0x7: {  	s4 =	sor.u32 s11, s3;
	s3 =	simm.s32 $0x0;
	s26 =	sshrl.u32 s7, $0x1  }
0x8: {  	s11 =	smul.u32 $0x50000, s11;
	s15 =	sadd.s32 $0x80, s10;
	s18 =	sadd.s32 $0x100, s10  }
0x9: {  	s21 =	sadd.s32 $0x180, s10;
	s24 =	sadd.s32 $0x200, s10;
	s5 =	smul.u32 $0x280, s4  }
0xa: {  	[smem:$0x7FF] =	sst s3;
	s4 =	sadd.s32 $0x14000, s1;
	s12 =	ssub.s32 s7, s26  }
0xb: {  	s13 =	sadd.s32 s0, s10;
	s16 =	sshll.u32 s15, $0x7;
	s19 =	sshll.u32 s18, $0x7  }
0xc: {  	s22 =	sshll.u32 s21, $0x7;
	s25 =	sshll.u32 s24, $0x7;
	_ =	strace $0x8000004A  }
0xd: {  	[dreg:$0x3] =	wrdreg s8;
	s11 =	sshrl.u32 s11, $0x2;
	s14 =	smax.u32 s12, $0x1  }
0xe: {  	s12 =	sadd.s32 s16, s2;
	s16 =	sadd.s32 s22, s2;
	s22 =	simm.s32 $0x80  }
0xf: {  	s6 =	sadd.s32 s5, s1;
	s1 =	sadd.s32 $0xB5400, s1;
	s7 =	sadd.s32 s9, s5  }
0x10: {  	s8 =	sadd.s32 s11, s2;
	[dreg:$0x6] =	wrdreg s14;
	s6 =	sadd.s32 $0xC800, s6  }
0x11: {  	s14 =	sadd.s32 s19, s2;
	s5 =	sadd.s32 $0x10, s7;
	[dreg:$0x4] =	wrdreg s6  }
0x12: {  	[dreg:$0x5] =	wrdreg s5;
	s5 =	sshll.u32 s13, $0x4;
	s6 =	sadd.s32 s0, s15  }
0x13: {  	s5 =	sadd.s32 s1, s5;
	s17 =	sshll.u32 s6, $0x4;
	s6 =	sadd.s32 s0, s18  }
0x14: {  	s18 =	sadd.s32 s25, s2;
	s25 =	simm.s32 $0x5500;
	[dreg:$0x7] =	wrdreg s5  }
0x15: {  	s13 =	sadd.s32 s1, s17;
	s20 =	sshll.u32 s6, $0x4;
	s6 =	sadd.s32 s0, s21  }
0x16: {  	s21 =	simm.s32 $0x7;
	s5 =	simm.s32 $0x0;
	s15 =	sadd.s32 s1, s20  }
0x17: {  	s23 =	sshll.u32 s6, $0x4;
	s6 =	sadd.s32 s0, s24;
	s0 =	sadd.s32 s0, s9  }
0x18: {  	s24 =	simm.s32 $0x1400;
	s17 =	sadd.s32 s1, s23;
	s26 =	sshll.u32 s6, $0x4  }
0x19: {  	s20 =	sadd.s32 s10, s0;
	s23 =	simm.s32 $0x1500;
	s0 =	simm.s32 $0x6  }
0x1a: {  	s19 =	sadd.s32 s1, s26;
	s26 =	simm.s32 $0x1480;
	s1 =	simm.s32 $0x5  }
.LBB2_1:
0x1b: {  	s6 =	rddreg [dreg:$0x4]  }
0x1c: {  	[tilespmem:s3], [sflag:$0x7] =	stream.linear.gather [hbm4b:s6+s3], $0x1400, $0x38;
	[tilespmem:$0x1D500] =	vst v63  }
0x1d: {  	s9 =	stileid.u32;
	_ =	swait.ge [sflag:s21], $0x1400  }
0x1e: {  	s6 =	sshll.u32 s9, $0x6;
	s9 =	sshrl.u32 s8, $0x3;
	[sflag:s21] =	ssyncset.done $0x0  }
0x1f: {  	s6 =	sor.u32 $0x1C07, s6;
	s10 =	rddreg [dreg:$0x3];
	[sflag:s21] =	ssyncadd.s32 $0xFFFFEC00  }
0x20: {  	[spmem:s9], [sflag:s6] =	dma.local [hbm:s10], $0x2800  }
0x21: {  	_ =	swait.ge [sflag:s21], $0x2800  }
0x22: {  	[sflag:s21] =	ssyncset.done $0x0  }
0x23: {  	[sflag:s21] =	ssyncadd.s32 $0xFFFFD800  }
0x24: {  	[bflag:$0x0] =	sbarrier.arrive $0xFFFF  }
0x25: {  	[tilespmem:s23], [sflag:$0x1] =	stream.indirect.gather [hbm4b:s4+s22], $0x80, s3, s22, $0xb8;
	[tilespmem:$0x1D500] =	vst v63  }
0x26: {  	_ = 	snop  }
0x27: {  	[tilespmem:s24], [sflag:$0x3] =	stream.linear.gather [hbm4b:s7+s3], $0x80, $0x38;
	[tilespmem:$0x1D500] =	vst v63  }
0x28: {  	_ = 	snop  }
0x29: {  	[tilespmem:s25], [sflag:$0x2] =	stream.indirect.gather [hbm4b:s4+s22], $0x80, s22, s22, $0xb8;
	[tilespmem:$0x1D500] =	vst v63  }
0x2a: {  	s10 =	rddreg [dreg:$0x5]  }
0x2b: {  	[tilespmem:s26], [sflag:$0x4] =	stream.linear.gather [hbm4b:s10+s3], $0x80, $0x38;
	[tilespmem:$0x1D500] =	vst v63  }
0x2c: {  	_ =	swait.ge [sflag:s28], $0x4000  }
0x2d: {  	[sflag:s28] =	ssyncset.done $0x0  }
0x2e: {  	[sflag:s28] =	ssyncadd.s32 $0xFFFFC000  }
0x2f: {  	_ =	swait.ge [sflag:s29], $0x80  }
0x30: {  	[sflag:s29] =	ssyncset.done $0x0  }
0x31: {  	[sflag:s29] =	ssyncadd.s32 $0xFFFFFF80  }
0x32: {  	[spmem:s2] =	stream.indirect.scatter.add.f32 [tilespmem:s23], [sflag:$0x5], $0x80, s24, s22, $0xb8;
	[tilespmem:$0x1D500] =	vst v63  }
0x33: {  	_ =	swait.ge [sflag:s30], $0x4000  }
0x34: {  	[sflag:s30] =	ssyncset.done $0x0  }
0x35: {  	[sflag:s30] =	ssyncadd.s32 $0xFFFFC000  }
0x36: {  	_ =	swait.ge [sflag:s31], $0x80  }
0x37: {  	[sflag:s31] =	ssyncset.done $0x0  }
0x38: {  	[sflag:s31] =	ssyncadd.s32 $0xFFFFFF80  }
0x39: {  	[spmem:s2] =	stream.indirect.scatter.add.f32 [tilespmem:s25], [sflag:$0x6], $0x80, s26, s22, $0xb8;
	[tilespmem:$0x1D500] =	vst v63  }
0x3a: {  	_ =	swait.ge [sflag:s1], $0x4000  }
0x3b: {  	[sflag:s1] =	ssyncset.done $0x0  }
0x3c: {  	s11 =	simm.s32 $0x100;
	s9 =	sadd.s32 $0x0, s20;
	[sflag:s1] =	ssyncadd.s32 $0xFFFFC000  }
0x3d: {  	[tilespmem:s23], [sflag:$0x1] =	stream.indirect.gather [hbm4b:s4+s22], $0x80, s11, s22, $0xb8;
	[tilespmem:$0x1D500] =	vst v63  }
0x3e: {  	s10 =	sadd.s32 $0x20, s9  }
0x3f: {  	[tilespmem:s24], [sflag:$0x3] =	stream.linear.gather [hbm4b:s10+s3], $0x80, $0x38;
	[tilespmem:$0x1D500] =	vst v63  }
0x40: {  	_ =	swait.ge [sflag:s0], $0x4000  }
0x41: {  	s6 =	simm.s32 $0x20;
	s11 =	simm.s32 $0x180;
	[sflag:s0] =	ssyncset.done $0x0  }
0x42: {  	s10 =	sadd.s32 $0x30, s9;
	s9 =	simm.s32 $0x280;
	[sflag:s0] =	ssyncadd.s32 $0xFFFFC000  }
0x43: {  	[tilespmem:s25], [sflag:$0x2] =	stream.indirect.gather [hbm4b:s4+s22], $0x80, s11, s22, $0xb8;
	[tilespmem:$0x1D500] =	vst v63  }
.LBB2_2:
0x44: {  	[tilespmem:s26], [sflag:$0x4] =	stream.linear.gather [hbm4b:s10+s3], $0x80, $0x38;
	[tilespmem:$0x1D500] =	vst v63  }
0x45: {  	s10 =	smov.u32 s6  }
0x46: {  	p0 =	sne.s32 s6, $0x240;
	s6 =	sadd.s32 $0x20, s6;
	_ =	swait.ge [sflag:s28], $0x4000  }
0x47: {  	[sflag:s28] =	ssyncset.done $0x0  }
0x48: {  	[sflag:s28] =	ssyncadd.s32 $0xFFFFC000  }
0x49: {  	_ =	swait.ge [sflag:s29], $0x80  }
0x4a: {  	[sflag:s29] =	ssyncset.done $0x0  }
0x4b: {  	[sflag:s29] =	ssyncadd.s32 $0xFFFFFF80  }
0x4c: {  	[spmem:s2] =	stream.indirect.scatter.add.f32 [tilespmem:s23], [sflag:$0x5], $0x80, s24, s22, $0xb8;
	[tilespmem:$0x1D500] =	vst v63  }
0x4d: {  	_ =	swait.ge [sflag:s30], $0x4000  }
0x4e: {  	[sflag:s30] =	ssyncset.done $0x0  }
0x4f: {  	[sflag:s30] =	ssyncadd.s32 $0xFFFFC000  }
0x50: {  	_ =	swait.ge [sflag:s31], $0x80  }
0x51: {  	[sflag:s31] =	ssyncset.done $0x0  }
0x52: {  	[sflag:s31] =	ssyncadd.s32 $0xFFFFFF80  }
0x53: {  	[spmem:s2] =	stream.indirect.scatter.add.f32 [tilespmem:s25], [sflag:$0x6], $0x80, s26, s22, $0xb8;
	[tilespmem:$0x1D500] =	vst v63  }
0x54: {  	_ =	swait.ge [sflag:s1], $0x4000  }
0x55: {  	[sflag:s1] =	ssyncset.done $0x0  }
0x56: {  	s11 =	sadd.s32 $0xFFFFFF80, s9;
	s10 =	sadd.s32 s10, s20;
	[sflag:s1] =	ssyncadd.s32 $0xFFFFC000  }
0x57: {  	[tilespmem:s23], [sflag:$0x1] =	stream.indirect.gather [hbm4b:s4+s22], $0x80, s11, s22, $0xb8;
	[tilespmem:$0x1D500] =	vst v63  }
0x58: {  	s11 =	sadd.s32 $0x20, s10  }
0x59: {  	[tilespmem:s24], [sflag:$0x3] =	stream.linear.gather [hbm4b:s11+s3], $0x80, $0x38;
	[tilespmem:$0x1D500] =	vst v63  }
.Ltmp0:
0x5a: {  	_ =	swait.ge [sflag:s0], $0x4000;
	(pc) =	sbr.rel @p0 .LBB2_2-.Ltmp0, $4  }
0x5b: {  	[sflag:s0] =	ssyncset.done $0x0  }
0x5c: {  	[sflag:s0] =	ssyncadd.s32 $0xFFFFC000  }
0x5d: {  	[tilespmem:s25], [sflag:$0x2] =	stream.indirect.gather [hbm4b:s4+s22], $0x80, s9, s22, $0xb8;
	[tilespmem:$0x1D500] =	vst v63  }
0x5e: {  	s10 =	sadd.s32 $0x30, s10;
	s9 =	sadd.s32 $0x100, s9  }
0x5f: {  	[tilespmem:s26], [sflag:$0x4] =	stream.linear.gather [hbm4b:s10+s3], $0x80, $0x38;
	[tilespmem:$0x1D500] =	vst v63  }
0x60: {  	_ =	swait.ge [sflag:s28], $0x4000  }
0x61: {  	[sflag:s28] =	ssyncset.done $0x0  }
0x62: {  	[sflag:s28] =	ssyncadd.s32 $0xFFFFC000  }
0x63: {  	_ =	swait.ge [sflag:s29], $0x80  }
0x64: {  	[sflag:s29] =	ssyncset.done $0x0  }
0x65: {  	[sflag:s29] =	ssyncadd.s32 $0xFFFFFF80  }
0x66: {  	[spmem:s2] =	stream.indirect.scatter.add.f32 [tilespmem:s23], [sflag:$0x5], $0x80, s24, s22, $0xb8;
	[tilespmem:$0x1D500] =	vst v63  }
0x67: {  	_ =	swait.ge [sflag:s30], $0x4000  }
0x68: {  	[sflag:s30] =	ssyncset.done $0x0  }
0x69: {  	[sflag:s30] =	ssyncadd.s32 $0xFFFFC000  }
0x6a: {  	_ =	swait.ge [sflag:s31], $0x80  }
0x6b: {  	[sflag:s31] =	ssyncset.done $0x0  }
0x6c: {  	[sflag:s31] =	ssyncadd.s32 $0xFFFFFF80  }
0x6d: {  	[spmem:s2] =	stream.indirect.scatter.add.f32 [tilespmem:s25], [sflag:$0x6], $0x80, s26, s22, $0xb8;
	[tilespmem:$0x1D500] =	vst v63  }
0x6e: {  	_ =	swait.ge [sflag:s1], $0x4000  }
0x6f: {  	[sflag:s1] =	ssyncset.done $0x0  }
0x70: {  	[sflag:s1] =	ssyncadd.s32 $0xFFFFC000  }
0x71: {  	_ =	swait.ge [sflag:s0], $0x4000  }
0x72: {  	[sflag:s0] =	ssyncset.done $0x0  }
0x73: {  	[sflag:s0] =	ssyncadd.s32 $0xFFFFC000  }
0x74: {  	[bflag:$0x0] =	sbarrier.arrive $0xFFFF  }
0x75: {  	[tilespmem:s23], [sflag:$0x7] =	stream.linear.gather [spmem:s8], $0x4000, $0x38;
	[tilespmem:$0x1D500] =	vst v63  }
0x76: {  	_ =	swait.ge [sflag:s21], $0x4000  }
0x77: {  	[sflag:s21] =	ssyncset.done $0x0  }
0x78: {  	s6 =	rddreg [dreg:$0x7];
	[sflag:s21] =	ssyncadd.s32 $0xFFFFC000  }
0x79: {  	[hbm4b:s6+s3] =	stream.linear.scatter [tilespmem:s23], [sflag:$0x7], $0x4000, $0x38;
	[tilespmem:$0x1D500] =	vst v63  }
0x7a: {  	_ =	swait.ge [sflag:s21], $0x4000  }
0x7b: {  	[sflag:s21] =	ssyncset.done $0x0  }
0x7c: {  	[sflag:s21] =	ssyncadd.s32 $0xFFFFC000  }
0x7d: {  	[tilespmem:s23], [sflag:$0x7] =	stream.linear.gather [spmem:s12], $0x4000, $0x38;
	[tilespmem:$0x1D500] =	vst v63  }
0x7e: {  	_ =	swait.ge [sflag:s21], $0x4000  }
0x7f: {  	[sflag:s21] =	ssyncset.done $0x0  }
0x80: {  	[sflag:s21] =	ssyncadd.s32 $0xFFFFC000  }
0x81: {  	[hbm4b:s13+s3] =	stream.linear.scatter [tilespmem:s23], [sflag:$0x7], $0x4000, $0x38;
	[tilespmem:$0x1D500] =	vst v63  }
0x82: {  	_ =	swait.ge [sflag:s21], $0x4000  }
0x83: {  	[sflag:s21] =	ssyncset.done $0x0  }
0x84: {  	[sflag:s21] =	ssyncadd.s32 $0xFFFFC000  }
0x85: {  	[tilespmem:s23], [sflag:$0x7] =	stream.linear.gather [spmem:s14], $0x4000, $0x38;
	[tilespmem:$0x1D500] =	vst v63  }
0x86: {  	_ =	swait.ge [sflag:s21], $0x4000  }
0x87: {  	[sflag:s21] =	ssyncset.done $0x0  }
0x88: {  	[sflag:s21] =	ssyncadd.s32 $0xFFFFC000  }
0x89: {  	[hbm4b:s15+s3] =	stream.linear.scatter [tilespmem:s23], [sflag:$0x7], $0x4000, $0x38;
	[tilespmem:$0x1D500] =	vst v63  }
0x8a: {  	_ =	swait.ge [sflag:s21], $0x4000  }
0x8b: {  	[sflag:s21] =	ssyncset.done $0x0  }
0x8c: {  	[sflag:s21] =	ssyncadd.s32 $0xFFFFC000  }
0x8d: {  	[tilespmem:s23], [sflag:$0x7] =	stream.linear.gather [spmem:s16], $0x4000, $0x38;
	[tilespmem:$0x1D500] =	vst v63  }
0x8e: {  	_ =	swait.ge [sflag:s21], $0x4000  }
0x8f: {  	[sflag:s21] =	ssyncset.done $0x0  }
0x90: {  	[sflag:s21] =	ssyncadd.s32 $0xFFFFC000  }
0x91: {  	[hbm4b:s17+s3] =	stream.linear.scatter [tilespmem:s23], [sflag:$0x7], $0x4000, $0x38;
	[tilespmem:$0x1D500] =	vst v63  }
0x92: {  	_ =	swait.ge [sflag:s21], $0x4000  }
0x93: {  	[sflag:s21] =	ssyncset.done $0x0  }
0x94: {  	[sflag:s21] =	ssyncadd.s32 $0xFFFFC000  }
0x95: {  	[tilespmem:s23], [sflag:$0x7] =	stream.linear.gather [spmem:s18], $0x4000, $0x38;
	[tilespmem:$0x1D500] =	vst v63  }
0x96: {  	_ =	swait.ge [sflag:s21], $0x4000  }
0x97: {  	[sflag:s21] =	ssyncset.done $0x0  }
0x98: {  	[sflag:s21] =	ssyncadd.s32 $0xFFFFC000  }
0x99: {  	[hbm4b:s19+s3] =	stream.linear.scatter [tilespmem:s23], [sflag:$0x7], $0x4000, $0x38;
	[tilespmem:$0x1D500] =	vst v63  }
0x9a: {  	_ =	swait.ge [sflag:s21], $0x4000  }
0x9b: {  	s5 =	sadd.s32 $0x1, s5;
	s11 =	rddreg [dreg:$0x6]  }
0x9c: {  	p0 =	sne.s32 s5, s11  }
.Ltmp1:
0x9d: {  	_ = 	snop;
	(pc) =	sbr.rel @p0 .LBB2_1-.Ltmp1, $3  }
0x9e: {  	_ =	sdelay $0x1  }
0x9f: {  	[sflag:s21] =	ssyncset.done $0x0  }
0xa0: {  	[sflag:s21] =	ssyncadd.s32 $0xFFFFC000  }
0xa1: {  	_ =	sfence.sel $0x180000  }
0xa2: {  	[bflag:$0x0] =	sbarrier.arrive $0xFFFF  }
0xa3: {  	_ =	strace $0x9000004A  }
0xa4: {  	s0 =	stileid.u32;
	[bflag:$0x2] =	sbarrier.arrive $0xFFFF  }
0xa5: {  	p0 =	sne.s32 s0, $0x0;
	s0 =	rddreg [dreg:$0x2]  }
0xa6: {  	s0 =	sadd.s32 @!p0 $0x100000, s0  }
0xa7: {  	[sflag:s0] =	ssyncadd.tile.s32 @!p0 $0x1;
	_ =	shalt  }
.Lfunc_end2:
_tile_overlayer_lowered:
.L_overlay_start_2:
0xa8: {  	(tag) =	ssettag $0x2  }
0xa9: {  	s0 =	rddreg [dreg:$0x0];
	s2 =	stileid.u32  }
0xaa: {  	s1 =	rddreg [dreg:$0x1];
	p0 =	sne.s32 s2, $0x0  }
0xab: {  	s3 =	rddreg [dreg:$0x2];
	[bflag:$0x3] =	sbarrier.arrive $0xFFFF;
	s2 =	simm.s32 @!p0 $0x1C07  }
0xac: {  	[timem:s3], [sflag:s2] =	dma.local @!p0 [hbm:s0], s1  }
0xad: {  	s0 =	simm.s32 @!p0 $0x7  }
0xae: {  	_ =	swait.ge @!p0 [sflag:s0], s1  }
0xaf: {  	s1 =	ssub.s32 @!p0 $0x0, s1;
	[sflag:s0] =	ssyncset.done @!p0 $0x0  }
0xb0: {  	[sflag:s0] =	ssyncadd.s32 @!p0 s1  }
0xb1: {  	[bflag:$0x3] =	sbarrier.arrive $0xFFFF  }
0xb2: {  	_ =	shalt  }

// kernel: kernel.14.cloned.1.call-start
scs
__scs_entry_jumppad:
0x0: {  	(pc) =	sbr.rel $0x88, $3  }
0x1: {  	(tag) =	ssettag $0x0;
	lr =	simm.s32 $0x1  }
0x2: {  	[smem:$0x3F9A] =	sst lr;
	_ =	strace $0xD0000000  }
0x3: {  	_ = 	snop  }
0x4: {  	_ = 	snop  }
0x5: {  	_ = 	snop  }
0x6: {  	_ = 	snop  }
0x7: {  	_ = 	snop  }
__scs_overlays_trampoline_lowered:
0x8: {  	[smem:$0x3FA9] =	sst s0  }
0x9: {  	[smem:$0x3FAA] =	sst s1  }
0xa: {  	[smem:$0x3FAB] =	sst s2  }
0xb: {  	[smem:$0x3FAC] =	sst s3  }
0xc: {  	[smem:$0x3FAD] =	sst s4  }
0xd: {  	[smem:$0x3FAE] =	sst s5  }
0xe: {  	[smem:$0x3FAF] =	sst s6  }
0xf: {  	[smem:$0x3FB0] =	sst s7  }
0x10: {  	[smem:$0x3FB1] =	sst s8  }
0x11: {  	[smem:$0x3FB2] =	sst s9;
	s0 =	simm.s32 @!p0 $0x0  }
0x12: {  	s1 =	sld [smem:$0x3F98];
	s0 =	simm.s32 @p0 $0x1  }
0x13: {  	[smem:$0x3FB3] =	sst s0;
	s0 =	simm.s32 @!p1 $0x0  }
0x14: {  	s2 =	sld [smem:$0x3F97];
	s0 =	simm.s32 @p1 $0x1  }
0x15: {  	[smem:$0x3FB4] =	sst s0;
	s0 =	simm.s32 @!p2 $0x0  }
0x16: {  	s3 =	sld [smem:$0x3FDB];
	s0 =	simm.s32 @p2 $0x1  }
0x17: {  	s4 =	simm.s32 $0x1BF5;
	[smem:$0x3FB6] =	sst s0  }
0x18: {  	s0 =	sld [smem:$0x3F99];
	_ =	swait.ge [sflag:s4], $0x0  }
0x19: {  	s7 =	sld [smem:$0x3F9A]  }
0x1a: {  	s8 =	sadd.s32 $0xFFFFE003, lr  }
0x1b: {  	s9 =	sadd.s32 $0xFFFFFEF7, lr;
	s5 =	simm.s32 $0xFFFFFFFF;
	p2 =	slt.u32 s8, $0xFFFFF086  }
0x1c: {  	p1 =	slt.u32 s9, $0xF7A;
	s5 =	simm.s32 @!p2 $0x0  }
0x1d: {  	s5 =	simm.s32 @p1 $0x1;
	p0 =	seq.s32 s7, s2  }
0x1e: {  	s7 =	smul.u32 @!p0 $0xF7A, s2;
	p2 =	seq.s32 @!p0 s5, $0x0  }
0x1f: {  	s9 =	smul.u32 $0xF7A, s1;
	s8 =	simm.s32 @!p0 $0x1BF5;
	p2 =	por !p2, p0  }
0x20: {  	[sflag:s8] =	ssyncset.s32 @!p0 $0xFFFFF086;
	s6 =	sadd.s32 @!p0 s3, s7;
	s7 =	simm.s32 @!p0 $0x108  }
0x21: {  	s3 =	sadd.s32 s3, s9;
	s6 =	sadd.s32 @!p0 $0x88, s6;
	s7 =	simm.s32 @p2 $0x1082  }
0x22: {  	[simem:s7], [sflag:s8] =	dma.local @!p0 [hbm:s6], $0xF7A  }
0x23: {  	s9 =	sor.u32 $0xD0000000, s2;
	s6 =	simm.s32 $0x108;
	_ =	swait.ge @!p0 [sflag:s8], $0x0  }
0x24: {  	s3 =	sadd.s32 $0x88, s3;
	s6 =	simm.s32 @!p1 $0x1082;
	[sflag:s4] =	ssyncset.s32 $0xFFFFF086  }
0x25: {  	[simem:s6], [sflag:s4] =	dma.local [hbm:s3], $0xF7A  }
0x26: {  	[smem:$0x3F9A] =	sst s1;
	(tag) =	ssettag s2;
	_ =	strace s9  }
0x27: {  	s1 =	sld [smem:$0x3FAA]  }
0x28: {  	s2 =	sld [smem:$0x3FAB]  }
0x29: {  	s4 =	sld [smem:$0x3FAD]  }
0x2a: {  	p0 =	seq.s32 s5, $0x0;
	s5 =	sld [smem:$0x3FAE]  }
0x2b: {  	s6 =	sld [smem:$0x3FAF]  }
0x2c: {  	s7 =	sld [smem:$0x3FB0]  }
0x2d: {  	s3 =	simm.s32 $0x108;
	s8 =	sld [smem:$0x3FB1]  }
0x2e: {  	s3 =	simm.s32 @!p0 $0x1082;
	s9 =	sld [smem:$0x3FB2]  }
0x2f: {  	lr =	sadd.s32 s0, s3;
	s0 =	sld [smem:$0x3FA9]  }
0x30: {  	s3 =	sld [smem:$0x3FAC]  }
0x31: {  	[smem:$0x3FB5] =	sst s10  }
0x32: {  	s10 =	sld [smem:$0x3FB3];
	_ =	sdelay $0x3  }
0x33: {  	p0 =	seq.s32 s10, $0x1;
	s10 =	sld [smem:$0x3FB5];
	_ =	sdelay $0x3  }
0x34: {  	[smem:$0x3FB5] =	sst s10  }
0x35: {  	s10 =	sld [smem:$0x3FB4];
	_ =	sdelay $0x3  }
0x36: {  	p1 =	seq.s32 s10, $0x1;
	s10 =	sld [smem:$0x3FB5];
	_ =	sdelay $0x3  }
0x37: {  	[smem:$0x3FB5] =	sst s10  }
0x38: {  	s10 =	sld [smem:$0x3FB6]  }
0x39: {  	_ = 	snop;
	(pc) =	sbr.ind lr, $3  }
0x3a: {  	_ = 	snop  }
0x3b: {  	_ = 	snop  }
0x3c: {  	p2 =	seq.s32 s10, $0x1;
	s10 =	sld [smem:$0x3FB5]  }
0x3d: {  	_ =	shalt  }
0x3e: {  	_ =	shalt  }
0x3f: {  	_ =	shalt  }
0x40: {  	_ =	shalt  }
0x41: {  	_ =	shalt  }
0x42: {  	_ =	shalt  }
0x43: {  	_ =	shalt  }
0x44: {  	_ =	shalt  }
0x45: {  	_ =	shalt  }
0x46: {  	_ =	shalt  }
0x47: {  	_ =	shalt  }
0x48: {  	_ =	shalt  }
0x49: {  	_ =	shalt  }
0x4a: {  	_ =	shalt  }
0x4b: {  	_ =	shalt  }
0x4c: {  	_ =	shalt  }
0x4d: {  	_ =	shalt  }
0x4e: {  	_ =	shalt  }
0x4f: {  	_ =	shalt  }
0x50: {  	_ =	shalt  }
0x51: {  	_ =	shalt  }
0x52: {  	_ =	shalt  }
0x53: {  	_ =	shalt  }
0x54: {  	_ =	shalt  }
0x55: {  	_ =	shalt  }
0x56: {  	_ =	shalt  }
0x57: {  	_ =	shalt  }
0x58: {  	_ =	shalt  }
0x59: {  	_ =	shalt  }
0x5a: {  	_ =	shalt  }
0x5b: {  	_ =	shalt  }
0x5c: {  	_ =	shalt  }
0x5d: {  	_ =	shalt  }
0x5e: {  	_ =	shalt  }
0x5f: {  	_ =	shalt  }
0x60: {  	_ =	shalt  }
0x61: {  	_ =	shalt  }
0x62: {  	_ =	shalt  }
0x63: {  	_ =	shalt  }
0x64: {  	_ =	shalt  }
0x65: {  	_ =	shalt  }
0x66: {  	_ =	shalt  }
0x67: {  	_ =	shalt  }
0x68: {  	_ =	shalt  }
0x69: {  	_ =	shalt  }
0x6a: {  	_ =	shalt  }
0x6b: {  	_ =	shalt  }
0x6c: {  	_ =	shalt  }
0x6d: {  	_ =	shalt  }
0x6e: {  	_ =	shalt  }
0x6f: {  	_ =	shalt  }
0x70: {  	_ =	shalt  }
0x71: {  	_ =	shalt  }
0x72: {  	_ =	shalt  }
0x73: {  	_ =	shalt  }
0x74: {  	_ =	shalt  }
0x75: {  	_ =	shalt  }
0x76: {  	_ =	shalt  }
0x77: {  	_ =	shalt  }
0x78: {  	_ =	shalt  }
0x79: {  	_ =	shalt  }
0x7a: {  	_ =	shalt  }
0x7b: {  	_ =	shalt  }
0x7c: {  	_ =	shalt  }
0x7d: {  	_ =	shalt  }
0x7e: {  	_ =	shalt  }
0x7f: {  	_ =	shalt  }
0x80: {  	_ =	shalt  }
0x81: {  	_ =	shalt  }
0x82: {  	_ =	shalt  }
0x83: {  	_ =	shalt  }
0x84: {  	_ =	shalt  }
0x85: {  	_ =	shalt  }
0x86: {  	_ =	shalt  }
0x87: {  	_ =	shalt  }
.Lfunc_end0:
.L_simem_size_0:
called_computation.2_lowered:
.L_overlay_start_0:
0x88: {  	s2 =	sld [smem:$0x3FD9]  }
0x89: {  	s3 =	sld [smem:$0x3FFE];
	_ =	sdelay $0x1  }
0x8a: {  	s1 =	srdreg.scid  }
0x8b: {  	s0 =	sand.u32 $0x1, s1  }
0x8c: {  	s16 =	sshll.u32 s0, $0xA;
	s2 =	sadd.s32 s3, s2  }
0x8d: {  	s2 =	sadd.s32 s2, s16  }
0x8e: {  	[smem:$0x3FC1] =	sst s2  }
0x8f: {  	_ = 	snop  }
0x90: {  	(tm) =	ssettm $0x1  }
0x91: {  	s17 =	sld [smem:$0x3FFB];
	_ =	sdelay $0x3  }
0x92: {  	_ =	strace s17  }
0x93: {  	s2 =	sld [smem:$0x3FFC];
	_ =	sdelay $0x3  }
0x94: {  	_ =	strace s2  }
0x95: {  	s2 =	sld [smem:$0x3FFD];
	_ =	sdelay $0x3  }
0x96: {  	_ =	strace s2  }
0x97: {  	_ =	strace $0x8FFFFFFF  }
0x98: {  	s18 =	sld [smem:$0x3FDB];
	_ =	sdelay $0x1  }
0x99: {  	s19 =	simm.s32 $_scs_section_size  }
0x9a: {  	s4 =	simm.s32 $_size__tile_overlayer_lowered;
	s5 =	simm.s32 $_tile_overlayer_lowered  }
0x9b: {  	s22 =	simm.s32 $0x1BFF;
	s21 =	sshll.u32 s5, $0x1;
	s2 =	sadd.s32 s19, s18  }
0x9c: {  	s6 =	simm.s32 $0x0;
	s20 =	sshll.u32 s4, $0x1;
	s4 =	sadd.s32 s21, s2  }
0x9d: {  	[timem:s6], [sflag:s22] =	dma.local [hbm:s4], s20  }
0x9e: {  	_ =	swait.ge [sflag:s22], s20  }
0x9f: {  	s3 =	ssub.s32 $0x0, s20;
	[sflag:s22] =	ssyncset.done $0x0  }
0xa0: {  	[sflag:s22] =	ssyncadd.s32 s3;
	_ =	sdelay $0x1  }
0xa1: {  	s23 =	simm.s32 $0x1B8B  }
0xa2: {  	_ =	swait.ge [sflag:s23], $0x1  }
0xa3: {  	[sflag:s23] =	ssyncset.done $0x0  }
0xa4: {  	s25 =	simm.s32 $0x1B8E;
	s24 =	sld [smem:$0x3FFE];
	[sflag:s23] =	ssyncadd.s32 $0xFFFFFFFF  }
0xa5: {  	s26 =	simm.s32 $execute0_lowered;
	[smem:$0x3FD2] =	sst s25  }
0xa6: {  	s4 =	sshll.u32 s26, $0x1;
	_ =	strace $0x8000004C;
	[dreg:$0x1] =	wrdreg $0xFFFFFFFF  }
0xa7: {  	s28 =	simm.s32 $_size_execute0_lowered;
	s2 =	sadd.s32 s2, s4;
	[dreg:$0x0] =	wrdreg $0x0  }
0xa8: {  	s4 =	sshll.u32 s28, $0x1;
	[dreg:$0x2] =	wrdreg s2  }
0xa9: {  	[dreg:$0x3] =	wrdreg s4  }
0xaa: {  	[dreg:$0x4] =	wrdreg $0xC0  }
0xab: {  	_ =	task [dreg:s6], $0x5FFFF  }
0xac: {  	[dreg:$0x1] =	wrdreg $0xFFFFFFFF  }
0xad: {  	[dreg:$0x0] =	wrdreg $0x60  }
0xae: {  	[dreg:$0x2] =	wrdreg s24  }
0xaf: {  	[dreg:$0x3] =	wrdreg $0x95000  }
0xb0: {  	[dreg:$0x4] =	wrdreg $0x9  }
0xb1: {  	_ =	task.clear_ibuf [dreg:s6], $0x5FFFF;
	_ =	strace $0x9000004C  }
0xb2: {  	s29 =	simm.s32 $0x9;
	_ =	strace $0x8000004E  }
0xb3: {  	_ =	swait.ge [sflag:s29], $0x1  }
0xb4: {  	[sflag:s29] =	ssyncadd.s32 $0xFFFFFFFF  }
0xb5: {  	_ =	strace $0x9000004E  }
0xb6: {  	_ =	sfence  }
0xb7: {  	s30 =	sld [smem:$0x0];
	_ =	sdelay $0x2  }
0xb8: {  	s31 =	sshll.u32 s1, $0xD;
	s1 =	sshrl.u32 s1, $0x2  }
0xb9: {  	s3 =	sand.u32 $0x4000, s31;
	s1 =	sadd.s32 s1, s30  }
0xba: {  	s0 =	sor.u32 s3, s0;
	s1 =	sshll.u32 s1, $0x11  }
0xbb: {  	s0 =	sor.u32 s1, s0  }
0xbc: {  	s0 =	sadd.s32 $0x8F2B, s0  }
0xbd: {  	[sflag:s0] =	ssyncadd.remote.s32 $0x1  }
0xbe: {  	_ =	sfence.sel $0xFFFF  }
0xbf: {  	[dreg:$0x0] =	wrdreg $0xFFFFFFFF;
	(pc) =	sbr.abs _section_cstart, $3  }
0xc0: {  	[dreg:$0x1] =	wrdreg $0xFFFFFFFF  }
0xc1: {  	_ =	task.clear_ibuf [dreg:s6], $0x2FFFF;
	_ =	strace $0x9FFFFFFF  }
0xc2: {  	(tm) =	ssettm $0x7FFFFFFF  }
0xc3: {  	_ =	shalt  }
tec
execute0_lowered:
.L_overlay_start_1:
0x0: {  	(tag) =	ssettag $0x1  }
0x1: {  	s0 =	srdreg.scid  }
0x2: {  	s1 =	rddreg [dreg:$0x0];
	s11 =	stileid.u32  }
0x3: {  	s2 =	rddreg [dreg:$0x1];
	s28 =	simm.s32 $0x1;
	s29 =	simm.s32 $0x3  }
0x4: {  	s30 =	simm.s32 $0x2;
	s31 =	simm.s32 $0x4;
	s0 =	sand.u32 $0x1, s0  }
0x5: {  	s9 =	sadd.s32 $0xB0400, s1;
	s10 =	smul.u32 $0x280, s11;
	s8 =	sadd.s32 $0x11800, s1  }
0x6: {  	s3 =	sshll.u32 s0, $0x4;
	s7 =	ssub.s32 $0x2, s0;
	s0 =	smul.u32 $0x2800, s0  }
0x7: {  	s4 =	sor.u32 s11, s3;
	s3 =	simm.s32 $0x0;
	s26 =	sshrl.u32 s7, $0x1  }
0x8: {  	s11 =	smul.u32 $0x50000, s11;
	s15 =	sadd.s32 $0x80, s10;
	s18 =	sadd.s32 $0x100, s10  }
0x9: {  	s21 =	sadd.s32 $0x180, s10;
	s24 =	sadd.s32 $0x200, s10;
	s5 =	smul.u32 $0x280, s4  }
0xa: {  	[smem:$0x7FF] =	sst s3;
	s4 =	sadd.s32 $0x14000, s1;
	s12 =	ssub.s32 s7, s26  }
0xb: {  	s13 =	sadd.s32 s0, s10;
	s16 =	sshll.u32 s15, $0x7;
	s19 =	sshll.u32 s18, $0x7  }
0xc: {  	s22 =	sshll.u32 s21, $0x7;
	s25 =	sshll.u32 s24, $0x7;
	_ =	strace $0x8000004D  }
0xd: {  	[dreg:$0x3] =	wrdreg s8;
	s11 =	sshrl.u32 s11, $0x2;
	s14 =	smax.u32 s12, $0x1  }
0xe: {  	s12 =	sadd.s32 s16, s2;
	s16 =	sadd.s32 s22, s2;
	s22 =	simm.s32 $0x80  }
0xf: {  	s6 =	sadd.s32 s5, s1;
	s1 =	sadd.s32 $0xB5400, s1;
	s7 =	sadd.s32 s9, s5  }
0x10: {  	s8 =	sadd.s32 s11, s2;
	[dreg:$0x6] =	wrdreg s14;
	s6 =	sadd.s32 $0xC800, s6  }
0x11: {  	s14 =	sadd.s32 s19, s2;
	s5 =	sadd.s32 $0x10, s7;
	[dreg:$0x4] =	wrdreg s6  }
0x12: {  	[dreg:$0x5] =	wrdreg s5;
	s5 =	sshll.u32 s13, $0x4;
	s6 =	sadd.s32 s0, s15  }
0x13: {  	s5 =	sadd.s32 s1, s5;
	s17 =	sshll.u32 s6, $0x4;
	s6 =	sadd.s32 s0, s18  }
0x14: {  	s18 =	sadd.s32 s25, s2;
	s25 =	simm.s32 $0x5500;
	[dreg:$0x7] =	wrdreg s5  }
0x15: {  	s13 =	sadd.s32 s1, s17;
	s20 =	sshll.u32 s6, $0x4;
	s6 =	sadd.s32 s0, s21  }
0x16: {  	s21 =	simm.s32 $0x7;
	s5 =	simm.s32 $0x0;
	s15 =	sadd.s32 s1, s20  }
0x17: {  	s23 =	sshll.u32 s6, $0x4;
	s6 =	sadd.s32 s0, s24;
	s0 =	sadd.s32 s0, s9  }
0x18: {  	s24 =	simm.s32 $0x1400;
	s17 =	sadd.s32 s1, s23;
	s26 =	sshll.u32 s6, $0x4  }
0x19: {  	s20 =	sadd.s32 s10, s0;
	s23 =	simm.s32 $0x1500;
	s0 =	simm.s32 $0x6  }
0x1a: {  	s19 =	sadd.s32 s1, s26;
	s26 =	simm.s32 $0x1480;
	s1 =	simm.s32 $0x5  }
.LBB2_1:
0x1b: {  	s6 =	rddreg [dreg:$0x4]  }
0x1c: {  	[tilespmem:s3], [sflag:$0x7] =	stream.linear.gather [hbm4b:s6+s3], $0x1400, $0x38;
	[tilespmem:$0x1D500] =	vst v63  }
0x1d: {  	s9 =	stileid.u32;
	_ =	swait.ge [sflag:s21], $0x1400  }
0x1e: {  	s6 =	sshll.u32 s9, $0x6;
	s9 =	sshrl.u32 s8, $0x3;
	[sflag:s21] =	ssyncset.done $0x0  }
0x1f: {  	s6 =	sor.u32 $0x1C07, s6;
	s10 =	rddreg [dreg:$0x3];
	[sflag:s21] =	ssyncadd.s32 $0xFFFFEC00  }
0x20: {  	[spmem:s9], [sflag:s6] =	dma.local [hbm:s10], $0x2800  }
0x21: {  	_ =	swait.ge [sflag:s21], $0x2800  }
0x22: {  	[sflag:s21] =	ssyncset.done $0x0  }
0x23: {  	[sflag:s21] =	ssyncadd.s32 $0xFFFFD800  }
0x24: {  	[bflag:$0x0] =	sbarrier.arrive $0xFFFF  }
0x25: {  	[tilespmem:s23], [sflag:$0x1] =	stream.indirect.gather [hbm4b:s4+s22], $0x80, s3, s22, $0xb8;
	[tilespmem:$0x1D500] =	vst v63  }
0x26: {  	_ = 	snop  }
0x27: {  	[tilespmem:s24], [sflag:$0x3] =	stream.linear.gather [hbm4b:s7+s3], $0x80, $0x38;
	[tilespmem:$0x1D500] =	vst v63  }
0x28: {  	_ = 	snop  }
0x29: {  	[tilespmem:s25], [sflag:$0x2] =	stream.indirect.gather [hbm4b:s4+s22], $0x80, s22, s22, $0xb8;
	[tilespmem:$0x1D500] =	vst v63  }
0x2a: {  	s10 =	rddreg [dreg:$0x5]  }
0x2b: {  	[tilespmem:s26], [sflag:$0x4] =	stream.linear.gather [hbm4b:s10+s3], $0x80, $0x38;
	[tilespmem:$0x1D500] =	vst v63  }
0x2c: {  	_ =	swait.ge [sflag:s28], $0x4000  }
0x2d: {  	[sflag:s28] =	ssyncset.done $0x0  }
0x2e: {  	[sflag:s28] =	ssyncadd.s32 $0xFFFFC000  }
0x2f: {  	_ =	swait.ge [sflag:s29], $0x80  }
0x30: {  	[sflag:s29] =	ssyncset.done $0x0  }
0x31: {  	[sflag:s29] =	ssyncadd.s32 $0xFFFFFF80  }
0x32: {  	[spmem:s2] =	stream.indirect.scatter.add.f32 [tilespmem:s23], [sflag:$0x5], $0x80, s24, s22, $0xb8;
	[tilespmem:$0x1D500] =	vst v63  }
0x33: {  	_ =	swait.ge [sflag:s30], $0x4000  }
0x34: {  	[sflag:s30] =	ssyncset.done $0x0  }
0x35: {  	[sflag:s30] =	ssyncadd.s32 $0xFFFFC000  }
0x36: {  	_ =	swait.ge [sflag:s31], $0x80  }
0x37: {  	[sflag:s31] =	ssyncset.done $0x0  }
0x38: {  	[sflag:s31] =	ssyncadd.s32 $0xFFFFFF80  }
0x39: {  	[spmem:s2] =	stream.indirect.scatter.add.f32 [tilespmem:s25], [sflag:$0x6], $0x80, s26, s22, $0xb8;
	[tilespmem:$0x1D500] =	vst v63  }
0x3a: {  	_ =	swait.ge [sflag:s1], $0x4000  }
0x3b: {  	[sflag:s1] =	ssyncset.done $0x0  }
0x3c: {  	s11 =	simm.s32 $0x100;
	s9 =	sadd.s32 $0x0, s20;
	[sflag:s1] =	ssyncadd.s32 $0xFFFFC000  }
0x3d: {  	[tilespmem:s23], [sflag:$0x1] =	stream.indirect.gather [hbm4b:s4+s22], $0x80, s11, s22, $0xb8;
	[tilespmem:$0x1D500] =	vst v63  }
0x3e: {  	s10 =	sadd.s32 $0x20, s9  }
0x3f: {  	[tilespmem:s24], [sflag:$0x3] =	stream.linear.gather [hbm4b:s10+s3], $0x80, $0x38;
	[tilespmem:$0x1D500] =	vst v63  }
0x40: {  	_ =	swait.ge [sflag:s0], $0x4000  }
0x41: {  	s6 =	simm.s32 $0x20;
	s11 =	simm.s32 $0x180;
	[sflag:s0] =	ssyncset.done $0x0  }
0x42: {  	s10 =	sadd.s32 $0x30, s9;
	s9 =	simm.s32 $0x280;
	[sflag:s0] =	ssyncadd.s32 $0xFFFFC000  }
0x43: {  	[tilespmem:s25], [sflag:$0x2] =	stream.indirect.gather [hbm4b:s4+s22], $0x80, s11, s22, $0xb8;
	[tilespmem:$0x1D500] =	vst v63  }
.LBB2_2:
0x44: {  	[tilespmem:s26], [sflag:$0x4] =	stream.linear.gather [hbm4b:s10+s3], $0x80, $0x38;
	[tilespmem:$0x1D500] =	vst v63  }
0x45: {  	s10 =	smov.u32 s6  }
0x46: {  	p0 =	sne.s32 s6, $0x240;
	s6 =	sadd.s32 $0x20, s6;
	_ =	swait.ge [sflag:s28], $0x4000  }
0x47: {  	[sflag:s28] =	ssyncset.done $0x0  }
0x48: {  	[sflag:s28] =	ssyncadd.s32 $0xFFFFC000  }
0x49: {  	_ =	swait.ge [sflag:s29], $0x80  }
0x4a: {  	[sflag:s29] =	ssyncset.done $0x0  }
0x4b: {  	[sflag:s29] =	ssyncadd.s32 $0xFFFFFF80  }
0x4c: {  	[spmem:s2] =	stream.indirect.scatter.add.f32 [tilespmem:s23], [sflag:$0x5], $0x80, s24, s22, $0xb8;
	[tilespmem:$0x1D500] =	vst v63  }
0x4d: {  	_ =	swait.ge [sflag:s30], $0x4000  }
0x4e: {  	[sflag:s30] =	ssyncset.done $0x0  }
0x4f: {  	[sflag:s30] =	ssyncadd.s32 $0xFFFFC000  }
0x50: {  	_ =	swait.ge [sflag:s31], $0x80  }
0x51: {  	[sflag:s31] =	ssyncset.done $0x0  }
0x52: {  	[sflag:s31] =	ssyncadd.s32 $0xFFFFFF80  }
0x53: {  	[spmem:s2] =	stream.indirect.scatter.add.f32 [tilespmem:s25], [sflag:$0x6], $0x80, s26, s22, $0xb8;
	[tilespmem:$0x1D500] =	vst v63  }
0x54: {  	_ =	swait.ge [sflag:s1], $0x4000  }
0x55: {  	[sflag:s1] =	ssyncset.done $0x0  }
0x56: {  	s11 =	sadd.s32 $0xFFFFFF80, s9;
	s10 =	sadd.s32 s10, s20;
	[sflag:s1] =	ssyncadd.s32 $0xFFFFC000  }
0x57: {  	[tilespmem:s23], [sflag:$0x1] =	stream.indirect.gather [hbm4b:s4+s22], $0x80, s11, s22, $0xb8;
	[tilespmem:$0x1D500] =	vst v63  }
0x58: {  	s11 =	sadd.s32 $0x20, s10  }
0x59: {  	[tilespmem:s24], [sflag:$0x3] =	stream.linear.gather [hbm4b:s11+s3], $0x80, $0x38;
	[tilespmem:$0x1D500] =	vst v63  }
.Ltmp0:
0x5a: {  	_ =	swait.ge [sflag:s0], $0x4000;
	(pc) =	sbr.rel @p0 .LBB2_2-.Ltmp0, $4  }
0x5b: {  	[sflag:s0] =	ssyncset.done $0x0  }
0x5c: {  	[sflag:s0] =	ssyncadd.s32 $0xFFFFC000  }
0x5d: {  	[tilespmem:s25], [sflag:$0x2] =	stream.indirect.gather [hbm4b:s4+s22], $0x80, s9, s22, $0xb8;
	[tilespmem:$0x1D500] =	vst v63  }
0x5e: {  	s10 =	sadd.s32 $0x30, s10;
	s9 =	sadd.s32 $0x100, s9  }
0x5f: {  	[tilespmem:s26], [sflag:$0x4] =	stream.linear.gather [hbm4b:s10+s3], $0x80, $0x38;
	[tilespmem:$0x1D500] =	vst v63  }
0x60: {  	_ =	swait.ge [sflag:s28], $0x4000  }
0x61: {  	[sflag:s28] =	ssyncset.done $0x0  }
0x62: {  	[sflag:s28] =	ssyncadd.s32 $0xFFFFC000  }
0x63: {  	_ =	swait.ge [sflag:s29], $0x80  }
0x64: {  	[sflag:s29] =	ssyncset.done $0x0  }
0x65: {  	[sflag:s29] =	ssyncadd.s32 $0xFFFFFF80  }
0x66: {  	[spmem:s2] =	stream.indirect.scatter.add.f32 [tilespmem:s23], [sflag:$0x5], $0x80, s24, s22, $0xb8;
	[tilespmem:$0x1D500] =	vst v63  }
0x67: {  	_ =	swait.ge [sflag:s30], $0x4000  }
0x68: {  	[sflag:s30] =	ssyncset.done $0x0  }
0x69: {  	[sflag:s30] =	ssyncadd.s32 $0xFFFFC000  }
0x6a: {  	_ =	swait.ge [sflag:s31], $0x80  }
0x6b: {  	[sflag:s31] =	ssyncset.done $0x0  }
0x6c: {  	[sflag:s31] =	ssyncadd.s32 $0xFFFFFF80  }
0x6d: {  	[spmem:s2] =	stream.indirect.scatter.add.f32 [tilespmem:s25], [sflag:$0x6], $0x80, s26, s22, $0xb8;
	[tilespmem:$0x1D500] =	vst v63  }
0x6e: {  	_ =	swait.ge [sflag:s1], $0x4000  }
0x6f: {  	[sflag:s1] =	ssyncset.done $0x0  }
0x70: {  	[sflag:s1] =	ssyncadd.s32 $0xFFFFC000  }
0x71: {  	_ =	swait.ge [sflag:s0], $0x4000  }
0x72: {  	[sflag:s0] =	ssyncset.done $0x0  }
0x73: {  	[sflag:s0] =	ssyncadd.s32 $0xFFFFC000  }
0x74: {  	[bflag:$0x0] =	sbarrier.arrive $0xFFFF  }
0x75: {  	[tilespmem:s23], [sflag:$0x7] =	stream.linear.gather [spmem:s8], $0x4000, $0x38;
	[tilespmem:$0x1D500] =	vst v63  }
0x76: {  	_ =	swait.ge [sflag:s21], $0x4000  }
0x77: {  	[sflag:s21] =	ssyncset.done $0x0  }
0x78: {  	s6 =	rddreg [dreg:$0x7];
	[sflag:s21] =	ssyncadd.s32 $0xFFFFC000  }
0x79: {  	[hbm4b:s6+s3] =	stream.linear.scatter [tilespmem:s23], [sflag:$0x7], $0x4000, $0x38;
	[tilespmem:$0x1D500] =	vst v63  }
0x7a: {  	_ =	swait.ge [sflag:s21], $0x4000  }
0x7b: {  	[sflag:s21] =	ssyncset.done $0x0  }
0x7c: {  	[sflag:s21] =	ssyncadd.s32 $0xFFFFC000  }
0x7d: {  	[tilespmem:s23], [sflag:$0x7] =	stream.linear.gather [spmem:s12], $0x4000, $0x38;
	[tilespmem:$0x1D500] =	vst v63  }
0x7e: {  	_ =	swait.ge [sflag:s21], $0x4000  }
0x7f: {  	[sflag:s21] =	ssyncset.done $0x0  }
0x80: {  	[sflag:s21] =	ssyncadd.s32 $0xFFFFC000  }
0x81: {  	[hbm4b:s13+s3] =	stream.linear.scatter [tilespmem:s23], [sflag:$0x7], $0x4000, $0x38;
	[tilespmem:$0x1D500] =	vst v63  }
0x82: {  	_ =	swait.ge [sflag:s21], $0x4000  }
0x83: {  	[sflag:s21] =	ssyncset.done $0x0  }
0x84: {  	[sflag:s21] =	ssyncadd.s32 $0xFFFFC000  }
0x85: {  	[tilespmem:s23], [sflag:$0x7] =	stream.linear.gather [spmem:s14], $0x4000, $0x38;
	[tilespmem:$0x1D500] =	vst v63  }
0x86: {  	_ =	swait.ge [sflag:s21], $0x4000  }
0x87: {  	[sflag:s21] =	ssyncset.done $0x0  }
0x88: {  	[sflag:s21] =	ssyncadd.s32 $0xFFFFC000  }
0x89: {  	[hbm4b:s15+s3] =	stream.linear.scatter [tilespmem:s23], [sflag:$0x7], $0x4000, $0x38;
	[tilespmem:$0x1D500] =	vst v63  }
0x8a: {  	_ =	swait.ge [sflag:s21], $0x4000  }
0x8b: {  	[sflag:s21] =	ssyncset.done $0x0  }
0x8c: {  	[sflag:s21] =	ssyncadd.s32 $0xFFFFC000  }
0x8d: {  	[tilespmem:s23], [sflag:$0x7] =	stream.linear.gather [spmem:s16], $0x4000, $0x38;
	[tilespmem:$0x1D500] =	vst v63  }
0x8e: {  	_ =	swait.ge [sflag:s21], $0x4000  }
0x8f: {  	[sflag:s21] =	ssyncset.done $0x0  }
0x90: {  	[sflag:s21] =	ssyncadd.s32 $0xFFFFC000  }
0x91: {  	[hbm4b:s17+s3] =	stream.linear.scatter [tilespmem:s23], [sflag:$0x7], $0x4000, $0x38;
	[tilespmem:$0x1D500] =	vst v63  }
0x92: {  	_ =	swait.ge [sflag:s21], $0x4000  }
0x93: {  	[sflag:s21] =	ssyncset.done $0x0  }
0x94: {  	[sflag:s21] =	ssyncadd.s32 $0xFFFFC000  }
0x95: {  	[tilespmem:s23], [sflag:$0x7] =	stream.linear.gather [spmem:s18], $0x4000, $0x38;
	[tilespmem:$0x1D500] =	vst v63  }
0x96: {  	_ =	swait.ge [sflag:s21], $0x4000  }
0x97: {  	[sflag:s21] =	ssyncset.done $0x0  }
0x98: {  	[sflag:s21] =	ssyncadd.s32 $0xFFFFC000  }
0x99: {  	[hbm4b:s19+s3] =	stream.linear.scatter [tilespmem:s23], [sflag:$0x7], $0x4000, $0x38;
	[tilespmem:$0x1D500] =	vst v63  }
0x9a: {  	_ =	swait.ge [sflag:s21], $0x4000  }
0x9b: {  	s5 =	sadd.s32 $0x1, s5;
	s11 =	rddreg [dreg:$0x6]  }
0x9c: {  	p0 =	sne.s32 s5, s11  }
.Ltmp1:
0x9d: {  	_ = 	snop;
	(pc) =	sbr.rel @p0 .LBB2_1-.Ltmp1, $3  }
0x9e: {  	_ =	sdelay $0x1  }
0x9f: {  	[sflag:s21] =	ssyncset.done $0x0  }
0xa0: {  	[sflag:s21] =	ssyncadd.s32 $0xFFFFC000  }
0xa1: {  	_ =	sfence.sel $0x180000  }
0xa2: {  	[bflag:$0x0] =	sbarrier.arrive $0xFFFF  }
0xa3: {  	_ =	strace $0x9000004D  }
0xa4: {  	s0 =	stileid.u32;
	[bflag:$0x2] =	sbarrier.arrive $0xFFFF  }
0xa5: {  	p0 =	sne.s32 s0, $0x0;
	s0 =	rddreg [dreg:$0x2]  }
0xa6: {  	s0 =	sadd.s32 @!p0 $0x100000, s0  }
0xa7: {  	[sflag:s0] =	ssyncadd.tile.s32 @!p0 $0x1;
	_ =	shalt  }
.Lfunc_end2:
_tile_overlayer_lowered:
.L_overlay_start_2:
0xa8: {  	(tag) =	ssettag $0x2  }
0xa9: {  	s0 =	rddreg [dreg:$0x0];
	s2 =	stileid.u32  }
0xaa: {  	s1 =	rddreg [dreg:$0x1];
	p0 =	sne.s32 s2, $0x0  }
0xab: {  	s3 =	rddreg [dreg:$0x2];
	[bflag:$0x3] =	sbarrier.arrive $0xFFFF;
	s2 =	simm.s32 @!p0 $0x1C07  }
0xac: {  	[timem:s3], [sflag:s2] =	dma.local @!p0 [hbm:s0], s1  }
0xad: {  	s0 =	simm.s32 @!p0 $0x7  }
0xae: {  	_ =	swait.ge @!p0 [sflag:s0], s1  }
0xaf: {  	s1 =	ssub.s32 @!p0 $0x0, s1;
	[sflag:s0] =	ssyncset.done @!p0 $0x0  }
0xb0: {  	[sflag:s0] =	ssyncadd.s32 @!p0 s1  }
0xb1: {  	[bflag:$0x3] =	sbarrier.arrive $0xFFFF  }
0xb2: {  	_ =	shalt  }

// kernel: kernel.8.cloned.1.call-start
scs
__scs_entry_jumppad:
0x0: {  	(pc) =	sbr.rel $0x88, $3  }
0x1: {  	(tag) =	ssettag $0x0;
	lr =	simm.s32 $0x1  }
0x2: {  	[smem:$0x3F9A] =	sst lr;
	_ =	strace $0xD0000000  }
0x3: {  	_ = 	snop  }
0x4: {  	_ = 	snop  }
0x5: {  	_ = 	snop  }
0x6: {  	_ = 	snop  }
0x7: {  	_ = 	snop  }
__scs_overlays_trampoline_lowered:
0x8: {  	[smem:$0x3FA9] =	sst s0  }
0x9: {  	[smem:$0x3FAA] =	sst s1  }
0xa: {  	[smem:$0x3FAB] =	sst s2  }
0xb: {  	[smem:$0x3FAC] =	sst s3  }
0xc: {  	[smem:$0x3FAD] =	sst s4  }
0xd: {  	[smem:$0x3FAE] =	sst s5  }
0xe: {  	[smem:$0x3FAF] =	sst s6  }
0xf: {  	[smem:$0x3FB0] =	sst s7  }
0x10: {  	[smem:$0x3FB1] =	sst s8  }
0x11: {  	[smem:$0x3FB2] =	sst s9;
	s0 =	simm.s32 @!p0 $0x0  }
0x12: {  	s1 =	sld [smem:$0x3F98];
	s0 =	simm.s32 @p0 $0x1  }
0x13: {  	[smem:$0x3FB3] =	sst s0;
	s0 =	simm.s32 @!p1 $0x0  }
0x14: {  	s2 =	sld [smem:$0x3F97];
	s0 =	simm.s32 @p1 $0x1  }
0x15: {  	[smem:$0x3FB4] =	sst s0;
	s0 =	simm.s32 @!p2 $0x0  }
0x16: {  	s3 =	sld [smem:$0x3FDB];
	s0 =	simm.s32 @p2 $0x1  }
0x17: {  	s4 =	simm.s32 $0x1BF5;
	[smem:$0x3FB6] =	sst s0  }
0x18: {  	s0 =	sld [smem:$0x3F99];
	_ =	swait.ge [sflag:s4], $0x0  }
0x19: {  	s7 =	sld [smem:$0x3F9A]  }
0x1a: {  	s8 =	sadd.s32 $0xFFFFE003, lr  }
0x1b: {  	s9 =	sadd.s32 $0xFFFFFEF7, lr;
	s5 =	simm.s32 $0xFFFFFFFF;
	p2 =	slt.u32 s8, $0xFFFFF086  }
0x1c: {  	p1 =	slt.u32 s9, $0xF7A;
	s5 =	simm.s32 @!p2 $0x0  }
0x1d: {  	s5 =	simm.s32 @p1 $0x1;
	p0 =	seq.s32 s7, s2  }
0x1e: {  	s7 =	smul.u32 @!p0 $0xF7A, s2;
	p2 =	seq.s32 @!p0 s5, $0x0  }
0x1f: {  	s9 =	smul.u32 $0xF7A, s1;
	s8 =	simm.s32 @!p0 $0x1BF5;
	p2 =	por !p2, p0  }
0x20: {  	[sflag:s8] =	ssyncset.s32 @!p0 $0xFFFFF086;
	s6 =	sadd.s32 @!p0 s3, s7;
	s7 =	simm.s32 @!p0 $0x108  }
0x21: {  	s3 =	sadd.s32 s3, s9;
	s6 =	sadd.s32 @!p0 $0x88, s6;
	s7 =	simm.s32 @p2 $0x1082  }
0x22: {  	[simem:s7], [sflag:s8] =	dma.local @!p0 [hbm:s6], $0xF7A  }
0x23: {  	s9 =	sor.u32 $0xD0000000, s2;
	s6 =	simm.s32 $0x108;
	_ =	swait.ge @!p0 [sflag:s8], $0x0  }
0x24: {  	s3 =	sadd.s32 $0x88, s3;
	s6 =	simm.s32 @!p1 $0x1082;
	[sflag:s4] =	ssyncset.s32 $0xFFFFF086  }
0x25: {  	[simem:s6], [sflag:s4] =	dma.local [hbm:s3], $0xF7A  }
0x26: {  	[smem:$0x3F9A] =	sst s1;
	(tag) =	ssettag s2;
	_ =	strace s9  }
0x27: {  	s1 =	sld [smem:$0x3FAA]  }
0x28: {  	s2 =	sld [smem:$0x3FAB]  }
0x29: {  	s4 =	sld [smem:$0x3FAD]  }
0x2a: {  	p0 =	seq.s32 s5, $0x0;
	s5 =	sld [smem:$0x3FAE]  }
0x2b: {  	s6 =	sld [smem:$0x3FAF]  }
0x2c: {  	s7 =	sld [smem:$0x3FB0]  }
0x2d: {  	s3 =	simm.s32 $0x108;
	s8 =	sld [smem:$0x3FB1]  }
0x2e: {  	s3 =	simm.s32 @!p0 $0x1082;
	s9 =	sld [smem:$0x3FB2]  }
0x2f: {  	lr =	sadd.s32 s0, s3;
	s0 =	sld [smem:$0x3FA9]  }
0x30: {  	s3 =	sld [smem:$0x3FAC]  }
0x31: {  	[smem:$0x3FB5] =	sst s10  }
0x32: {  	s10 =	sld [smem:$0x3FB3];
	_ =	sdelay $0x3  }
0x33: {  	p0 =	seq.s32 s10, $0x1;
	s10 =	sld [smem:$0x3FB5];
	_ =	sdelay $0x3  }
0x34: {  	[smem:$0x3FB5] =	sst s10  }
0x35: {  	s10 =	sld [smem:$0x3FB4];
	_ =	sdelay $0x3  }
0x36: {  	p1 =	seq.s32 s10, $0x1;
	s10 =	sld [smem:$0x3FB5];
	_ =	sdelay $0x3  }
0x37: {  	[smem:$0x3FB5] =	sst s10  }
0x38: {  	s10 =	sld [smem:$0x3FB6]  }
0x39: {  	_ = 	snop;
	(pc) =	sbr.ind lr, $3  }
0x3a: {  	_ = 	snop  }
0x3b: {  	_ = 	snop  }
0x3c: {  	p2 =	seq.s32 s10, $0x1;
	s10 =	sld [smem:$0x3FB5]  }
0x3d: {  	_ =	shalt  }
0x3e: {  	_ =	shalt  }
0x3f: {  	_ =	shalt  }
0x40: {  	_ =	shalt  }
0x41: {  	_ =	shalt  }
0x42: {  	_ =	shalt  }
0x43: {  	_ =	shalt  }
0x44: {  	_ =	shalt  }
0x45: {  	_ =	shalt  }
0x46: {  	_ =	shalt  }
0x47: {  	_ =	shalt  }
0x48: {  	_ =	shalt  }
0x49: {  	_ =	shalt  }
0x4a: {  	_ =	shalt  }
0x4b: {  	_ =	shalt  }
0x4c: {  	_ =	shalt  }
0x4d: {  	_ =	shalt  }
0x4e: {  	_ =	shalt  }
0x4f: {  	_ =	shalt  }
0x50: {  	_ =	shalt  }
0x51: {  	_ =	shalt  }
0x52: {  	_ =	shalt  }
0x53: {  	_ =	shalt  }
0x54: {  	_ =	shalt  }
0x55: {  	_ =	shalt  }
0x56: {  	_ =	shalt  }
0x57: {  	_ =	shalt  }
0x58: {  	_ =	shalt  }
0x59: {  	_ =	shalt  }
0x5a: {  	_ =	shalt  }
0x5b: {  	_ =	shalt  }
0x5c: {  	_ =	shalt  }
0x5d: {  	_ =	shalt  }
0x5e: {  	_ =	shalt  }
0x5f: {  	_ =	shalt  }
0x60: {  	_ =	shalt  }
0x61: {  	_ =	shalt  }
0x62: {  	_ =	shalt  }
0x63: {  	_ =	shalt  }
0x64: {  	_ =	shalt  }
0x65: {  	_ =	shalt  }
0x66: {  	_ =	shalt  }
0x67: {  	_ =	shalt  }
0x68: {  	_ =	shalt  }
0x69: {  	_ =	shalt  }
0x6a: {  	_ =	shalt  }
0x6b: {  	_ =	shalt  }
0x6c: {  	_ =	shalt  }
0x6d: {  	_ =	shalt  }
0x6e: {  	_ =	shalt  }
0x6f: {  	_ =	shalt  }
0x70: {  	_ =	shalt  }
0x71: {  	_ =	shalt  }
0x72: {  	_ =	shalt  }
0x73: {  	_ =	shalt  }
0x74: {  	_ =	shalt  }
0x75: {  	_ =	shalt  }
0x76: {  	_ =	shalt  }
0x77: {  	_ =	shalt  }
0x78: {  	_ =	shalt  }
0x79: {  	_ =	shalt  }
0x7a: {  	_ =	shalt  }
0x7b: {  	_ =	shalt  }
0x7c: {  	_ =	shalt  }
0x7d: {  	_ =	shalt  }
0x7e: {  	_ =	shalt  }
0x7f: {  	_ =	shalt  }
0x80: {  	_ =	shalt  }
0x81: {  	_ =	shalt  }
0x82: {  	_ =	shalt  }
0x83: {  	_ =	shalt  }
0x84: {  	_ =	shalt  }
0x85: {  	_ =	shalt  }
0x86: {  	_ =	shalt  }
0x87: {  	_ =	shalt  }
.Lfunc_end0:
.L_simem_size_0:
called_computation_lowered:
.L_overlay_start_0:
0x88: {  	s2 =	sld [smem:$0x3FD9]  }
0x89: {  	s3 =	sld [smem:$0x3FFE];
	_ =	sdelay $0x1  }
0x8a: {  	s1 =	srdreg.scid  }
0x8b: {  	s0 =	sand.u32 $0x1, s1  }
0x8c: {  	s17 =	sshll.u32 s0, $0xA;
	s2 =	sadd.s32 s3, s2  }
0x8d: {  	s2 =	sadd.s32 s2, s17  }
0x8e: {  	[smem:$0x3FC1] =	sst s2  }
0x8f: {  	_ = 	snop  }
0x90: {  	s2 =	sld [smem:$0x3FD0];
	(tm) =	ssettm $0x1  }
0x91: {  	s18 =	sld [smem:$0x3FFB];
	_ =	sdelay $0x3  }
0x92: {  	_ =	strace s18  }
0x93: {  	s3 =	sld [smem:$0x3FFC];
	_ =	sdelay $0x3  }
0x94: {  	_ =	strace s3  }
0x95: {  	s3 =	sld [smem:$0x3FFD];
	_ =	sdelay $0x3  }
0x96: {  	_ =	strace s3  }
0x97: {  	_ =	strace $0x8FFFFFFF  }
0x98: {  	s19 =	sld [smem:$0x3FDB];
	_ =	sdelay $0x1  }
0x99: {  	s4 =	simm.s32 $_scs_section_size  }
0x9a: {  	s5 =	simm.s32 $_size__tile_overlayer_lowered;
	s6 =	simm.s32 $_tile_overlayer_lowered  }
0x9b: {  	s22 =	simm.s32 $0x1BFF;
	s21 =	sshll.u32 s6, $0x1;
	s3 =	sadd.s32 s4, s19  }
0x9c: {  	s7 =	simm.s32 $0x0;
	s20 =	sshll.u32 s5, $0x1;
	s5 =	sadd.s32 s21, s3  }
0x9d: {  	[timem:s7], [sflag:s22] =	dma.local [hbm:s5], s20  }
0x9e: {  	_ =	swait.ge [sflag:s22], s20  }
0x9f: {  	s4 =	ssub.s32 $0x0, s20;
	[sflag:s22] =	ssyncset.done $0x0  }
0xa0: {  	[sflag:s22] =	ssyncadd.s32 s4;
	_ =	sdelay $0x1  }
0xa1: {  	s23 =	simm.s32 $0x1B8B  }
0xa2: {  	_ =	swait.ge [sflag:s23], $0x1  }
0xa3: {  	[sflag:s23] =	ssyncset.done $0x0  }
0xa4: {  	s25 =	simm.s32 $0x1B8E;
	s24 =	sld [smem:$0x3FFE];
	[sflag:s23] =	ssyncadd.s32 $0xFFFFFFFF  }
0xa5: {  	s26 =	simm.s32 $execute0_lowered;
	[smem:$0x3FD2] =	sst s25  }
0xa6: {  	s5 =	sshll.u32 s26, $0x1;
	_ =	strace $0x80000046;
	[dreg:$0x1] =	wrdreg $0xFFFFFFFF  }
0xa7: {  	s28 =	simm.s32 $_size_execute0_lowered;
	s3 =	sadd.s32 s3, s5;
	[dreg:$0x0] =	wrdreg $0x0  }
0xa8: {  	s5 =	sshll.u32 s28, $0x1;
	[dreg:$0x2] =	wrdreg s3  }
0xa9: {  	[dreg:$0x3] =	wrdreg s5  }
0xaa: {  	[dreg:$0x4] =	wrdreg $0xC0  }
0xab: {  	_ =	task [dreg:s7], $0x5FFFF  }
0xac: {  	[dreg:$0x1] =	wrdreg $0xFFFFFFFF  }
0xad: {  	[dreg:$0x0] =	wrdreg $0x60  }
0xae: {  	[dreg:$0x2] =	wrdreg s24  }
0xaf: {  	[dreg:$0x3] =	wrdreg s2  }
0xb0: {  	[dreg:$0x4] =	wrdreg $0x95000  }
0xb1: {  	[dreg:$0x5] =	wrdreg $0x99000  }
0xb2: {  	[dreg:$0x6] =	wrdreg $0x9  }
0xb3: {  	_ =	task.clear_ibuf [dreg:s7], $0x7FFFF;
	_ =	strace $0x90000046  }
0xb4: {  	s29 =	simm.s32 $0x9;
	_ =	strace $0x80000048  }
0xb5: {  	_ =	swait.ge [sflag:s29], $0x1  }
0xb6: {  	[sflag:s29] =	ssyncadd.s32 $0xFFFFFFFF  }
0xb7: {  	_ =	strace $0x90000048  }
0xb8: {  	_ =	sfence  }
0xb9: {  	s30 =	sld [smem:$0x0];
	_ =	sdelay $0x2  }
0xba: {  	s31 =	sshll.u32 s1, $0xD;
	s1 =	sshrl.u32 s1, $0x2  }
0xbb: {  	s3 =	sand.u32 $0x4000, s31;
	s1 =	sadd.s32 s1, s30  }
0xbc: {  	s0 =	sor.u32 s3, s0;
	s1 =	sshll.u32 s1, $0x11  }
0xbd: {  	s0 =	sor.u32 s1, s0  }
0xbe: {  	s0 =	sadd.s32 $0x8F2B, s0  }
0xbf: {  	[sflag:s0] =	ssyncadd.remote.s32 $0x1  }
0xc0: {  	_ =	sfence.sel $0xFFFF  }
0xc1: {  	[dreg:$0x0] =	wrdreg $0xFFFFFFFF;
	(pc) =	sbr.abs _section_cstart, $3  }
0xc2: {  	[dreg:$0x1] =	wrdreg $0xFFFFFFFF  }
0xc3: {  	_ =	task.clear_ibuf [dreg:s7], $0x2FFFF;
	_ =	strace $0x9FFFFFFF  }
0xc4: {  	(tm) =	ssettm $0x7FFFFFFF  }
0xc5: {  	_ =	shalt  }
tec
execute0_lowered:
.L_overlay_start_1:
0x0: {  	(tag) =	ssettag $0x1  }
0x1: {  	s5 =	rddreg [dreg:$0x0]  }
0x2: {  	s10 =	rddreg [dreg:$0x1]  }
0x3: {  	s0 =	srdreg.scid;
	s1 =	rddreg [dreg:$0x2]  }
0x4: {  	s15 =	stileid.u32;
	s2 =	rddreg [dreg:$0x3];
	s3 =	simm.s32 $0x0  }
0x5: {  	s17 =	simm.s32 $0x80;
	s18 =	simm.s32 $0x1500;
	s19 =	simm.s32 $0x1400  }
0x6: {  	s20 =	simm.s32 $0x5500;
	s21 =	simm.s32 $0x1480;
	s22 =	simm.s32 $0x1  }
0x7: {  	s23 =	simm.s32 $0x3;
	s24 =	simm.s32 $0x2;
	s12 =	smul.u32 $0xA000, s15  }
0x8: {  	s25 =	simm.s32 $0x4;
	s26 =	simm.s32 $0x0;
	s14 =	smul.u32 $0x500, s15  }
0x9: {  	s8 =	sand.u32 $0x1, s0;
	[smem:$0x7FF] =	sst s3;
	s30 =	smul.u32 $0x280, s15  }
0xa: {  	s11 =	sadd.s32 $0x7800, s5;
	p0 =	sne.s32 s15, $0x0;
	s29 =	smul.u32 $0x5000, s8  }
0xb: {  	s0 =	sshll.u32 s8, $0x4;
	s7 =	ssub.s32 $0x2, s8;
	s16 =	smul.u32 $0x2800, s8  }
0xc: {  	s4 =	sor.u32 s15, s0;
	s0 =	rddreg [dreg:$0x4];
	_ =	strace $0x80000047  }
0xd: {  	s13 =	sshrl.u32 s7, $0x1;
	s28 =	sshrl.u32 s12, $0x2;
	s15 =	sshll.u32 s15, $0x6  }
0xe: {  	s9 =	smul.u32 $0x280, s4;
	s4 =	sadd.s32 $0x2000, s5;
	s13 =	ssub.s32 s7, s13  }
0xf: {  	s7 =	sadd.s32 s28, s2;
	s12 =	sadd.s32 s14, s29;
	s31 =	sadd.s32 s16, s11  }
0x10: {  	s14 =	sshrl.u32 @!p0 s1, $0x3;
	s15 =	sor.u32 $0x1C05, s15;
	s10 =	sadd.s32 s10, s12  }
0x11: {  	s12 =	sadd.s32 s30, s31;
	s16 =	sshrl.u32 s7, $0x3;
	s6 =	sadd.s32 s9, s5  }
0x12: {  	s5 =	sadd.s32 $0x11800, s5;
	s8 =	sadd.s32 s11, s9;
	s11 =	smax.u32 s13, $0x1  }
0x13: {  	s13 =	simm.s32 $0x5;
	s6 =	sadd.s32 $0x2800, s6;
	s9 =	sadd.s32 $0x10, s8  }
.LBB2_1:
0x14: {  	[tilespmem:s3], [sflag:$0x5] =	stream.linear.gather [hbm4b:s6+s3], $0x1400, $0x38;
	[tilespmem:$0xC100] =	vst v63  }
0x15: {  	_ =	swait.ge [sflag:s13], $0x1400  }
0x16: {  	[sflag:s13] =	ssyncset.done $0x0  }
0x17: {  	s28 =	simm.s32 @!p0 $0x1C05;
	[sflag:s13] =	ssyncadd.s32 $0xFFFFEC00  }
0x18: {  	[spmem:s14], [sflag:s28] =	dma.local @!p0 [hbm:s4], $0x800  }
0x19: {  	s28 =	simm.s32 @!p0 $0x5  }
0x1a: {  	_ =	swait.ge @!p0 [sflag:s28], $0x800  }
0x1b: {  	[sflag:s28] =	ssyncset.done @!p0 $0x0  }
0x1c: {  	[sflag:s28] =	ssyncadd.s32 @!p0 $0xFFFFF800  }
0x1d: {  	[spmem:s16], [sflag:s15] =	dma.local [hbm:s5], $0x500  }
0x1e: {  	_ =	swait.ge [sflag:s13], $0x500  }
0x1f: {  	[sflag:s13] =	ssyncset.done $0x0  }
0x20: {  	[sflag:s13] =	ssyncadd.s32 $0xFFFFFB00  }
0x21: {  	[bflag:$0x0] =	sbarrier.arrive $0xFFFF  }
0x22: {  	[tilespmem:s18], [sflag:$0x1] =	stream.indirect.gather [spmem:s1], $0x80, s3, s17, $0xb8;
	[tilespmem:$0xC100] =	vst v63  }
0x23: {  	_ = 	snop  }
0x24: {  	[tilespmem:s19], [sflag:$0x3] =	stream.linear.gather [hbm4b:s8+s3], $0x80, $0x38;
	[tilespmem:$0xC100] =	vst v63  }
0x25: {  	_ = 	snop  }
0x26: {  	[tilespmem:s20], [sflag:$0x2] =	stream.indirect.gather [spmem:s1], $0x80, s17, s17, $0xb8;
	[tilespmem:$0xC100] =	vst v63  }
0x27: {  	_ = 	snop  }
0x28: {  	[tilespmem:s21], [sflag:$0x4] =	stream.linear.gather [hbm4b:s9+s3], $0x80, $0x38;
	[tilespmem:$0xC100] =	vst v63  }
0x29: {  	_ =	swait.ge [sflag:s22], $0x4000  }
0x2a: {  	[sflag:s22] =	ssyncset.done $0x0  }
0x2b: {  	[sflag:s22] =	ssyncadd.s32 $0xFFFFC000  }
0x2c: {  	_ =	swait.ge [sflag:s23], $0x80  }
0x2d: {  	[sflag:s23] =	ssyncset.done $0x0  }
0x2e: {  	[sflag:s23] =	ssyncadd.s32 $0xFFFFFF80  }
0x2f: {  	[spmem:s2] =	stream.indirect.scatter.add.f32 [tilespmem:s18], [sflag:$0x5], $0x80, s19, s17, $0xb8;
	[tilespmem:$0xC100] =	vst v63  }
0x30: {  	_ =	swait.ge [sflag:s13], $0x4000  }
0x31: {  	[sflag:s13] =	ssyncset.done $0x0  }
0x32: {  	s29 =	sadd.s32 $0x0, s12;
	s28 =	simm.s32 $0x100;
	[sflag:s13] =	ssyncadd.s32 $0xFFFFC000  }
0x33: {  	[tilespmem:s18], [sflag:$0x1] =	stream.indirect.gather [spmem:s1], $0x80, s28, s17, $0xb8;
	[tilespmem:$0xC100] =	vst v63  }
0x34: {  	s28 =	sadd.s32 $0x20, s29  }
0x35: {  	[tilespmem:s19], [sflag:$0x3] =	stream.linear.gather [hbm4b:s28+s3], $0x80, $0x38;
	[tilespmem:$0xC100] =	vst v63  }
0x36: {  	_ =	swait.ge [sflag:s24], $0x4000  }
0x37: {  	[sflag:s24] =	ssyncset.done $0x0  }
0x38: {  	[sflag:s24] =	ssyncadd.s32 $0xFFFFC000  }
0x39: {  	_ =	swait.ge [sflag:s25], $0x80  }
0x3a: {  	[sflag:s25] =	ssyncset.done $0x0  }
0x3b: {  	[sflag:s25] =	ssyncadd.s32 $0xFFFFFF80  }
0x3c: {  	[spmem:s2] =	stream.indirect.scatter.add.f32 [tilespmem:s20], [sflag:$0x5], $0x80, s21, s17, $0xb8;
	[tilespmem:$0xC100] =	vst v63  }
0x3d: {  	_ =	swait.ge [sflag:s13], $0x4000  }
0x3e: {  	[sflag:s13] =	ssyncset.done $0x0  }
0x3f: {  	s28 =	simm.s32 $0x180;
	[sflag:s13] =	ssyncadd.s32 $0xFFFFC000  }
0x40: {  	[tilespmem:s20], [sflag:$0x2] =	stream.indirect.gather [spmem:s1], $0x80, s28, s17, $0xb8;
	[tilespmem:$0xC100] =	vst v63  }
0x41: {  	s30 =	sadd.s32 $0x30, s29;
	s29 =	simm.s32 $0x280;
	s28 =	simm.s32 $0x20  }
.LBB2_2:
0x42: {  	[tilespmem:s21], [sflag:$0x4] =	stream.linear.gather [hbm4b:s30+s3], $0x80, $0x38;
	[tilespmem:$0xC100] =	vst v63  }
0x43: {  	s30 =	smov.u32 s28  }
0x44: {  	p1 =	sne.s32 s28, $0x240;
	s28 =	sadd.s32 $0x20, s28;
	_ =	swait.ge [sflag:s22], $0x4000  }
0x45: {  	[sflag:s22] =	ssyncset.done $0x0  }
0x46: {  	[sflag:s22] =	ssyncadd.s32 $0xFFFFC000  }
0x47: {  	_ =	swait.ge [sflag:s23], $0x80  }
0x48: {  	[sflag:s23] =	ssyncset.done $0x0  }
0x49: {  	[sflag:s23] =	ssyncadd.s32 $0xFFFFFF80  }
0x4a: {  	[spmem:s2] =	stream.indirect.scatter.add.f32 [tilespmem:s18], [sflag:$0x5], $0x80, s19, s17, $0xb8;
	[tilespmem:$0xC100] =	vst v63  }
0x4b: {  	_ =	swait.ge [sflag:s13], $0x4000  }
0x4c: {  	[sflag:s13] =	ssyncset.done $0x0  }
0x4d: {  	s31 =	sadd.s32 $0xFFFFFF80, s29;
	s30 =	sadd.s32 s30, s12;
	[sflag:s13] =	ssyncadd.s32 $0xFFFFC000  }
0x4e: {  	[tilespmem:s18], [sflag:$0x1] =	stream.indirect.gather [spmem:s1], $0x80, s31, s17, $0xb8;
	[tilespmem:$0xC100] =	vst v63  }
0x4f: {  	s31 =	sadd.s32 $0x20, s30  }
0x50: {  	[tilespmem:s19], [sflag:$0x3] =	stream.linear.gather [hbm4b:s31+s3], $0x80, $0x38;
	[tilespmem:$0xC100] =	vst v63  }
0x51: {  	_ =	swait.ge [sflag:s24], $0x4000  }
0x52: {  	[sflag:s24] =	ssyncset.done $0x0  }
0x53: {  	[sflag:s24] =	ssyncadd.s32 $0xFFFFC000  }
0x54: {  	_ =	swait.ge [sflag:s25], $0x80  }
0x55: {  	[sflag:s25] =	ssyncset.done $0x0  }
0x56: {  	[sflag:s25] =	ssyncadd.s32 $0xFFFFFF80  }
0x57: {  	[spmem:s2] =	stream.indirect.scatter.add.f32 [tilespmem:s20], [sflag:$0x5], $0x80, s21, s17, $0xb8;
	[tilespmem:$0xC100] =	vst v63  }
.Ltmp0:
0x58: {  	_ =	swait.ge [sflag:s13], $0x4000;
	(pc) =	sbr.rel @p1 .LBB2_2-.Ltmp0, $4  }
0x59: {  	[sflag:s13] =	ssyncset.done $0x0  }
0x5a: {  	[sflag:s13] =	ssyncadd.s32 $0xFFFFC000  }
0x5b: {  	[tilespmem:s20], [sflag:$0x2] =	stream.indirect.gather [spmem:s1], $0x80, s29, s17, $0xb8;
	[tilespmem:$0xC100] =	vst v63  }
0x5c: {  	s30 =	sadd.s32 $0x30, s30;
	s29 =	sadd.s32 $0x100, s29  }
0x5d: {  	[tilespmem:s21], [sflag:$0x4] =	stream.linear.gather [hbm4b:s30+s3], $0x80, $0x38;
	[tilespmem:$0xC100] =	vst v63  }
0x5e: {  	_ =	swait.ge [sflag:s22], $0x4000  }
0x5f: {  	[sflag:s22] =	ssyncset.done $0x0  }
0x60: {  	[sflag:s22] =	ssyncadd.s32 $0xFFFFC000  }
0x61: {  	_ =	swait.ge [sflag:s23], $0x80  }
0x62: {  	[sflag:s23] =	ssyncset.done $0x0  }
0x63: {  	[sflag:s23] =	ssyncadd.s32 $0xFFFFFF80  }
0x64: {  	[spmem:s2] =	stream.indirect.scatter.add.f32 [tilespmem:s18], [sflag:$0x5], $0x80, s19, s17, $0xb8;
	[tilespmem:$0xC100] =	vst v63  }
0x65: {  	_ =	swait.ge [sflag:s13], $0x4000  }
0x66: {  	[sflag:s13] =	ssyncset.done $0x0  }
0x67: {  	[sflag:s13] =	ssyncadd.s32 $0xFFFFC000  }
0x68: {  	_ =	swait.ge [sflag:s24], $0x4000  }
0x69: {  	[sflag:s24] =	ssyncset.done $0x0  }
0x6a: {  	[sflag:s24] =	ssyncadd.s32 $0xFFFFC000  }
0x6b: {  	_ =	swait.ge [sflag:s25], $0x80  }
0x6c: {  	[sflag:s25] =	ssyncset.done $0x0  }
0x6d: {  	[sflag:s25] =	ssyncadd.s32 $0xFFFFFF80  }
0x6e: {  	[spmem:s2] =	stream.indirect.scatter.add.f32 [tilespmem:s20], [sflag:$0x5], $0x80, s21, s17, $0xb8;
	[tilespmem:$0xC100] =	vst v63  }
0x6f: {  	_ =	swait.ge [sflag:s13], $0x4000  }
0x70: {  	[sflag:s13] =	ssyncset.done $0x0  }
0x71: {  	[sflag:s13] =	ssyncadd.s32 $0xFFFFC000  }
0x72: {  	[bflag:$0x0] =	sbarrier.arrive $0xFFFF  }
0x73: {  	[tilespmem:s18], [sflag:$0x5] =	stream.linear.gather [spmem:s7], $0x2800, $0x38;
	[tilespmem:$0xC100] =	vst v63  }
0x74: {  	s26 =	sadd.s32 $0x1, s26;
	_ =	swait.ge [sflag:s13], $0x2800  }
0x75: {  	p1 =	sne.s32 s26, s11;
	[sflag:s13] =	ssyncset.done $0x0  }
.Ltmp1:
0x76: {  	[sflag:s13] =	ssyncadd.s32 $0xFFFFD800;
	(pc) =	sbr.rel @p1 .LBB2_1-.Ltmp1, $4  }
0x77: {  	[hbm4b:s10+s3] =	stream.linear.scatter [tilespmem:s18], [sflag:$0x5], $0x2800, $0x38;
	[tilespmem:$0xC100] =	vst v63  }
0x78: {  	_ =	swait.ge [sflag:s13], $0x2800  }
0x79: {  	[sflag:s13] =	ssyncset.done $0x0  }
0x7a: {  	[sflag:s13] =	ssyncadd.s32 $0xFFFFD800  }
0x7b: {  	_ =	sfence.sel $0x180000  }
0x7c: {  	[bflag:$0x0] =	sbarrier.arrive $0xFFFF  }
0x7d: {  	_ =	strace $0x90000047  }
0x7e: {  	s0 =	sadd.s32 @!p0 $0x100000, s0;
	[bflag:$0x2] =	sbarrier.arrive $0xFFFF  }
0x7f: {  	[sflag:s0] =	ssyncadd.tile.s32 @!p0 $0x1;
	_ =	shalt  }
.Lfunc_end2:
_tile_overlayer_lowered:
.L_overlay_start_2:
0x80: {  	(tag) =	ssettag $0x2  }
0x81: {  	s0 =	rddreg [dreg:$0x0];
	s2 =	stileid.u32  }
0x82: {  	s1 =	rddreg [dreg:$0x1];
	p0 =	sne.s32 s2, $0x0  }
0x83: {  	s3 =	rddreg [dreg:$0x2];
	[bflag:$0x3] =	sbarrier.arrive $0xFFFF;
	s2 =	simm.s32 @!p0 $0x1C05  }
0x84: {  	[timem:s3], [sflag:s2] =	dma.local @!p0 [hbm:s0], s1  }
0x85: {  	s0 =	simm.s32 @!p0 $0x5  }
0x86: {  	_ =	swait.ge @!p0 [sflag:s0], s1  }
0x87: {  	s1 =	ssub.s32 @!p0 $0x0, s1;
	[sflag:s0] =	ssyncset.done @!p0 $0x0  }
0x88: {  	[sflag:s0] =	ssyncadd.s32 @!p0 s1  }
0x89: {  	[bflag:$0x3] =	sbarrier.arrive $0xFFFF  }
0x8a: {  	_ =	shalt  }

</sc_bundles>
